<compile_context>
chip_gen: v7x
topology: tpu7x:2x2x1
jax: 0.10.2.dev20260603
libtpu: 0.0.44.dev20260713+nightly
codegen_flags: <defaults>
</compile_context>

<pallas_src>
import functools

import jax
import jax.numpy as jnp
from jax import lax
from jax.experimental import pallas as pl
from jax.experimental.pallas import tpu as pltpu
from jax.experimental.pallas import tpu_sc as plsc

_BATCH = 32
_SEQ = 128
_D = 14336
_V = 128
_ROWS = _BATCH * _SEQ
_NC = 2
_NS = 16
_D2 = _D // _NC
_NQ = 2
_DQ = _D2 // _NQ
_V4 = _V * 4
_ROWS_PER_S = _ROWS // _NS
_V_PER_S = _V // _NS
_CHUNK = 8
_NGROUP = _ROWS_PER_S // _CHUNK
_NCHUNK = _NGROUP * _NQ
_STREAM_EVERY = 3

_mesh = plsc.VectorSubcoreMesh(core_axis_name="c", subcore_axis_name="s")


@functools.partial(
    pl.kernel,
    mesh=_mesh,
    out_type=jax.ShapeDtypeStruct((_ROWS, _D), jnp.float32),
    scratch_types=[
        pltpu.VMEM((_ROWS_PER_S + 16,), jnp.int32),
        pltpu.VMEM((2 * _ROWS_PER_S,), jnp.int32),
        pltpu.VMEM((2, _CHUNK, _DQ), jnp.float32),
        pltpu.VMEM_SHARED((_V * _D2,), jnp.float32),
        pltpu.SemaphoreType.DMA((2,)),
    ],
)
def _gather(idx_hbm, table_hbm, table4_hbm, out_hbm,
            idx_v, idxq_v, rows_v, table_sh, sems):
    sid = lax.axis_index("s")
    cid = lax.axis_index("c")
    dcol = cid * _D2
    base = sid * _ROWS_PER_S

    for j in range(_V_PER_S):
        r = sid * _V_PER_S + j
        pltpu.async_copy(
            table_hbm.at[pl.ds(r * _D + dcol, _D2)],
            table_sh.at[pl.ds(r * _D2, _D2)],
            sems.at[0],
        )
    pltpu.sync_copy(idx_hbm.at[pl.ds(base, _ROWS_PER_S)],
                    idx_v.at[pl.ds(0, _ROWS_PER_S)])
    pltpu.make_async_copy(
        table_hbm.at[pl.ds(0, _V_PER_S * _D2)],
        table_sh.at[pl.ds(sid * _V_PER_S * _D2, _V_PER_S * _D2)],
        sems.at[0],
    ).wait()

    def prep(k, carry):
        vec = idx_v[pl.ds(16 * k, 16)]
        idxq_v[pl.ds(16 * k, 16)] = 4 * vec + 2 * cid
        idxq_v[pl.ds(_ROWS_PER_S + 16 * k, 16)] = 4 * vec + 2 * cid + 1
        return carry

    lax.fori_loop(0, _ROWS_PER_S // 16, prep, 0)
    plsc.subcore_barrier()

    def body(c, carry):
        par = lax.rem(c, 2)
        cc = lax.min(c, _NCHUNK - 1)
        g = lax.div(cc, _NQ)
        q = lax.rem(cc, _NQ)
        buf = rows_v.at[par]
        sem = sems.at[par]
        live = c < _NCHUNK
        is_stream = lax.rem(cc, _STREAM_EVERY) == _STREAM_EVERY - 1

        @pl.when(jnp.logical_and(live, is_stream))
        def _():
            pltpu.async_copy(
                table4_hbm.at[
                    idxq_v.at[pl.ds(_ROWS_PER_S * q + _CHUNK * g, _CHUNK)]
                ],
                buf,
                sem,
            )

        @pl.when(jnp.logical_and(live, jnp.logical_not(is_stream)))
        def _():
            vec = idx_v[pl.ds(8 * g, 16)]
            for j in range(_CHUNK):
                v = vec[j]
                pltpu.async_copy(
                    table_sh.at[pl.ds(v * _D2 + q * _DQ, _DQ)],
                    buf.at[j],
                    sem,
                )

        @pl.when(c > 0)
        def _():
            cp = c - 1
            parp = lax.rem(cp, 2)
            gp = lax.div(cp, _NQ)
            qp = lax.rem(cp, _NQ)
            bufp = rows_v.at[parp]
            semp = sems.at[parp]
            pltpu.make_async_copy(
                out_hbm.at[pl.ds(0, _CHUNK), pl.ds(0, _DQ)], bufp, semp
            ).wait()
            pltpu.sync_copy(
                bufp,
                out_hbm.at[
                    pl.ds(base + gp * _CHUNK, _CHUNK),
                    pl.ds(dcol + qp * _DQ, _DQ),
                ],
            )

        return carry

    lax.fori_loop(0, _NCHUNK + 1, body, 0)


def kernel(prefix, embedding_table):
    idx = prefix.reshape(_ROWS).astype(jnp.int32)
    table = embedding_table.reshape(_V * _D)
    table4 = embedding_table.reshape(_V4, _DQ)
    out = _gather(idx, table, table4)
    return out.reshape(_BATCH, _SEQ, _D)

# --- scband reference (transcript-rebuilt; emitter-appended) ---
"""Pipeline reference for scband-prefix-encoder-35493609734488 (READ-ONLY COPY).

The authoritative reference and input builder live on the scoring server;
editing this copy changes nothing except your own understanding.
"""

import jax, jax.numpy as jnp
import numpy as np

BATCH = 32
PRE_SEQ_LEN = 128
NUM_LAYERS = 28
KV_CHANNELS = 128
MULTI_QUERY_GROUP_NUM = 2
KV_SIZE = NUM_LAYERS * KV_CHANNELS * MULTI_QUERY_GROUP_NUM * 2  # 14336


def setup_inputs(seed: int = 0) -> dict:
    key = jax.random.key(seed)
    k1, k2 = jax.random.split(key)
    prefix = jax.random.randint(k1, (BATCH, PRE_SEQ_LEN), 0, PRE_SEQ_LEN, dtype=jnp.int64 if jax.config.jax_enable_x64 else jnp.int32)
    embedding_table = jax.random.normal(k2, (PRE_SEQ_LEN, KV_SIZE), dtype=jnp.float32) * 0.02
    return {"prefix": prefix, "embedding_table": embedding_table}


def reference(prefix, embedding_table):
    # prefix_projection = False path: past_key_values = self.embedding(prefix)
    past_key_values = jnp.take(embedding_table, prefix, axis=0)
    return past_key_values

if __name__ == "__main__":
    import jax
    _d = setup_inputs()
    print(jax.jit(kernel)(*tuple(_d.values())))

</pallas_src>

<mosaic_0001>
#map = affine_map<(d0, d1) -> (0)>
#map1 = affine_map<(d0, d1) -> (0, 0)>
module attributes {stable_mosaic.version = 14 : i64} {
  func.func @_gather(%arg0: i32, %arg1: i32, %arg2: memref<4096xi32, #tpu.memory_space<hbm>>, %arg3: memref<1835008xf32, #tpu.memory_space<hbm>>, %arg4: memref<512x3584xf32, #tpu.memory_space<hbm>>, %arg5: memref<4096x14336xf32, #tpu.memory_space<hbm>>, %arg6: memref<272xi32, #tpu.memory_space<vmem>>, %arg7: memref<512xi32, #tpu.memory_space<vmem>>, %arg8: memref<2x8x3584xf32, #tpu.memory_space<vmem>>, %arg9: memref<917504xf32, #tpu.memory_space<vmem_shared>>, %arg10: memref<2x!tpu.dma_semaphore, #tpu.memory_space<semaphore_mem>>) attributes {dimension_semantics = [#tpu.dimension_semantics<core_parallel>, #tpu.dimension_semantics<subcore_parallel>], iteration_bounds = array<i64: 2, 16>, scalar_prefetch = 0 : i64, scratch_operands = 5 : i64, tpu.core_type = #tpu.core_type<sc_vector_subcore>, window_params = [{transform_indices = #map}, {transform_indices = #map}, {transform_indices = #map1}, {transform_indices = #map1}]} {
    %mul3A = arith.constant 7168 : i32
    %mul3A_0 = arith.muli %arg0, %mul3A : i32
    %mul3A_1 = arith.constant 256 : i32
    %mul3A_2 = arith.muli %arg1, %mul3A_1 : i32
    %mul3A_3 = arith.constant 8 : i32
    %mul3A_4 = arith.muli %arg1, %mul3A_3 : i32
    %add3A = arith.constant 0 : i32
    %add3A_5 = arith.addi %mul3A_4, %add3A : i32
    %mul3A_6 = arith.constant 14336 : i32
    %mul3A_7 = arith.muli %add3A_5, %mul3A_6 : i32
    %add3A_8 = arith.addi %mul3A_7, %mul3A_0 : i32
    %mul3A_9 = arith.constant 7168 : i32
    %mul3A_10 = arith.muli %add3A_5, %mul3A_9 : i32
    %dma_start3A = arith.constant 0 : i32
    %dma_start3A_11 = tpu.memref_slice %arg10[%dma_start3A] : memref<2x!tpu.dma_semaphore, #tpu.memory_space<semaphore_mem>> -> memref<1x!tpu.dma_semaphore, #tpu.memory_space<semaphore_mem>>
    %dma_start3A_12 = tpu.memref_squeeze %dma_start3A_11 : memref<1x!tpu.dma_semaphore, #tpu.memory_space<semaphore_mem>> -> memref<!tpu.dma_semaphore, #tpu.memory_space<semaphore_mem>>
    %dma_start3A_13 = tpu.memref_slice %arg9[%mul3A_10] : memref<917504xf32, #tpu.memory_space<vmem_shared>> -> memref<7168xf32, #tpu.memory_space<vmem_shared>>
    %dma_start3A_14 = tpu.memref_slice %arg3[%add3A_8] : memref<1835008xf32, #tpu.memory_space<hbm>> -> memref<7168xf32, #tpu.memory_space<hbm>>
    tpu.enqueue_dma source(%dma_start3A_14 : memref<7168xf32, #tpu.memory_space<hbm>>) target(%dma_start3A_13 : memref<7168xf32, #tpu.memory_space<vmem_shared>>) target_semaphore(%dma_start3A_12 : memref<!tpu.dma_semaphore, #tpu.memory_space<semaphore_mem>>)
    %mul3A_15 = arith.constant 8 : i32
    %mul3A_16 = arith.muli %arg1, %mul3A_15 : i32
    %add3A_17 = arith.constant 1 : i32
    %add3A_18 = arith.addi %mul3A_16, %add3A_17 : i32
    %mul3A_19 = arith.constant 14336 : i32
    %mul3A_20 = arith.muli %add3A_18, %mul3A_19 : i32
    %add3A_21 = arith.addi %mul3A_20, %mul3A_0 : i32
    %mul3A_22 = arith.constant 7168 : i32
    %mul3A_23 = arith.muli %add3A_18, %mul3A_22 : i32
    %dma_start3A_24 = arith.constant 0 : i32
    %dma_start3A_25 = tpu.memref_slice %arg10[%dma_start3A_24] : memref<2x!tpu.dma_semaphore, #tpu.memory_space<semaphore_mem>> -> memref<1x!tpu.dma_semaphore, #tpu.memory_space<semaphore_mem>>
    %dma_start3A_26 = tpu.memref_squeeze %dma_start3A_25 : memref<1x!tpu.dma_semaphore, #tpu.memory_space<semaphore_mem>> -> memref<!tpu.dma_semaphore, #tpu.memory_space<semaphore_mem>>
    %dma_start3A_27 = tpu.memref_slice %arg9[%mul3A_23] : memref<917504xf32, #tpu.memory_space<vmem_shared>> -> memref<7168xf32, #tpu.memory_space<vmem_shared>>
    %dma_start3A_28 = tpu.memref_slice %arg3[%add3A_21] : memref<1835008xf32, #tpu.memory_space<hbm>> -> memref<7168xf32, #tpu.memory_space<hbm>>
    tpu.enqueue_dma source(%dma_start3A_28 : memref<7168xf32, #tpu.memory_space<hbm>>) target(%dma_start3A_27 : memref<7168xf32, #tpu.memory_space<vmem_shared>>) target_semaphore(%dma_start3A_26 : memref<!tpu.dma_semaphore, #tpu.memory_space<semaphore_mem>>)
    %mul3A_29 = arith.constant 8 : i32
    %mul3A_30 = arith.muli %arg1, %mul3A_29 : i32
    %add3A_31 = arith.constant 2 : i32
    %add3A_32 = arith.addi %mul3A_30, %add3A_31 : i32
    %mul3A_33 = arith.constant 14336 : i32
    %mul3A_34 = arith.muli %add3A_32, %mul3A_33 : i32
    %add3A_35 = arith.addi %mul3A_34, %mul3A_0 : i32
    %mul3A_36 = arith.constant 7168 : i32
    %mul3A_37 = arith.muli %add3A_32, %mul3A_36 : i32
    %dma_start3A_38 = arith.constant 0 : i32
    %dma_start3A_39 = tpu.memref_slice %arg10[%dma_start3A_38] : memref<2x!tpu.dma_semaphore, #tpu.memory_space<semaphore_mem>> -> memref<1x!tpu.dma_semaphore, #tpu.memory_space<semaphore_mem>>
    %dma_start3A_40 = tpu.memref_squeeze %dma_start3A_39 : memref<1x!tpu.dma_semaphore, #tpu.memory_space<semaphore_mem>> -> memref<!tpu.dma_semaphore, #tpu.memory_space<semaphore_mem>>
    %dma_start3A_41 = tpu.memref_slice %arg9[%mul3A_37] : memref<917504xf32, #tpu.memory_space<vmem_shared>> -> memref<7168xf32, #tpu.memory_space<vmem_shared>>
    %dma_start3A_42 = tpu.memref_slice %arg3[%add3A_35] : memref<1835008xf32, #tpu.memory_space<hbm>> -> memref<7168xf32, #tpu.memory_space<hbm>>
    tpu.enqueue_dma source(%dma_start3A_42 : memref<7168xf32, #tpu.memory_space<hbm>>) target(%dma_start3A_41 : memref<7168xf32, #tpu.memory_space<vmem_shared>>) target_semaphore(%dma_start3A_40 : memref<!tpu.dma_semaphore, #tpu.memory_space<semaphore_mem>>)
    %mul3A_43 = arith.constant 8 : i32
    %mul3A_44 = arith.muli %arg1, %mul3A_43 : i32
    %add3A_45 = arith.constant 3 : i32
    %add3A_46 = arith.addi %mul3A_44, %add3A_45 : i32
    %mul3A_47 = arith.constant 14336 : i32
    %mul3A_48 = arith.muli %add3A_46, %mul3A_47 : i32
    %add3A_49 = arith.addi %mul3A_48, %mul3A_0 : i32
    %mul3A_50 = arith.constant 7168 : i32
    %mul3A_51 = arith.muli %add3A_46, %mul3A_50 : i32
    %dma_start3A_52 = arith.constant 0 : i32
    %dma_start3A_53 = tpu.memref_slice %arg10[%dma_start3A_52] : memref<2x!tpu.dma_semaphore, #tpu.memory_space<semaphore_mem>> -> memref<1x!tpu.dma_semaphore, #tpu.memory_space<semaphore_mem>>
    %dma_start3A_54 = tpu.memref_squeeze %dma_start3A_53 : memref<1x!tpu.dma_semaphore, #tpu.memory_space<semaphore_mem>> -> memref<!tpu.dma_semaphore, #tpu.memory_space<semaphore_mem>>
    %dma_start3A_55 = tpu.memref_slice %arg9[%mul3A_51] : memref<917504xf32, #tpu.memory_space<vmem_shared>> -> memref<7168xf32, #tpu.memory_space<vmem_shared>>
    %dma_start3A_56 = tpu.memref_slice %arg3[%add3A_49] : memref<1835008xf32, #tpu.memory_space<hbm>> -> memref<7168xf32, #tpu.memory_space<hbm>>
    tpu.enqueue_dma source(%dma_start3A_56 : memref<7168xf32, #tpu.memory_space<hbm>>) target(%dma_start3A_55 : memref<7168xf32, #tpu.memory_space<vmem_shared>>) target_semaphore(%dma_start3A_54 : memref<!tpu.dma_semaphore, #tpu.memory_space<semaphore_mem>>)
    %mul3A_57 = arith.constant 8 : i32
    %mul3A_58 = arith.muli %arg1, %mul3A_57 : i32
    %add3A_59 = arith.constant 4 : i32
    %add3A_60 = arith.addi %mul3A_58, %add3A_59 : i32
    %mul3A_61 = arith.constant 14336 : i32
    %mul3A_62 = arith.muli %add3A_60, %mul3A_61 : i32
    %add3A_63 = arith.addi %mul3A_62, %mul3A_0 : i32
    %mul3A_64 = arith.constant 7168 : i32
    %mul3A_65 = arith.muli %add3A_60, %mul3A_64 : i32
    %dma_start3A_66 = arith.constant 0 : i32
    %dma_start3A_67 = tpu.memref_slice %arg10[%dma_start3A_66] : memref<2x!tpu.dma_semaphore, #tpu.memory_space<semaphore_mem>> -> memref<1x!tpu.dma_semaphore, #tpu.memory_space<semaphore_mem>>
    %dma_start3A_68 = tpu.memref_squeeze %dma_start3A_67 : memref<1x!tpu.dma_semaphore, #tpu.memory_space<semaphore_mem>> -> memref<!tpu.dma_semaphore, #tpu.memory_space<semaphore_mem>>
    %dma_start3A_69 = tpu.memref_slice %arg9[%mul3A_65] : memref<917504xf32, #tpu.memory_space<vmem_shared>> -> memref<7168xf32, #tpu.memory_space<vmem_shared>>
    %dma_start3A_70 = tpu.memref_slice %arg3[%add3A_63] : memref<1835008xf32, #tpu.memory_space<hbm>> -> memref<7168xf32, #tpu.memory_space<hbm>>
    tpu.enqueue_dma source(%dma_start3A_70 : memref<7168xf32, #tpu.memory_space<hbm>>) target(%dma_start3A_69 : memref<7168xf32, #tpu.memory_space<vmem_shared>>) target_semaphore(%dma_start3A_68 : memref<!tpu.dma_semaphore, #tpu.memory_space<semaphore_mem>>)
    %mul3A_71 = arith.constant 8 : i32
    %mul3A_72 = arith.muli %arg1, %mul3A_71 : i32
    %add3A_73 = arith.constant 5 : i32
    %add3A_74 = arith.addi %mul3A_72, %add3A_73 : i32
    %mul3A_75 = arith.constant 14336 : i32
    %mul3A_76 = arith.muli %add3A_74, %mul3A_75 : i32
    %add3A_77 = arith.addi %mul3A_76, %mul3A_0 : i32
    %mul3A_78 = arith.constant 7168 : i32
    %mul3A_79 = arith.muli %add3A_74, %mul3A_78 : i32
    %dma_start3A_80 = arith.constant 0 : i32
    %dma_start3A_81 = tpu.memref_slice %arg10[%dma_start3A_80] : memref<2x!tpu.dma_semaphore, #tpu.memory_space<semaphore_mem>> -> memref<1x!tpu.dma_semaphore, #tpu.memory_space<semaphore_mem>>
    %dma_start3A_82 = tpu.memref_squeeze %dma_start3A_81 : memref<1x!tpu.dma_semaphore, #tpu.memory_space<semaphore_mem>> -> memref<!tpu.dma_semaphore, #tpu.memory_space<semaphore_mem>>
    %dma_start3A_83 = tpu.memref_slice %arg9[%mul3A_79] : memref<917504xf32, #tpu.memory_space<vmem_shared>> -> memref<7168xf32, #tpu.memory_space<vmem_shared>>
    %dma_start3A_84 = tpu.memref_slice %arg3[%add3A_77] : memref<1835008xf32, #tpu.memory_space<hbm>> -> memref<7168xf32, #tpu.memory_space<hbm>>
    tpu.enqueue_dma source(%dma_start3A_84 : memref<7168xf32, #tpu.memory_space<hbm>>) target(%dma_start3A_83 : memref<7168xf32, #tpu.memory_space<vmem_shared>>) target_semaphore(%dma_start3A_82 : memref<!tpu.dma_semaphore, #tpu.memory_space<semaphore_mem>>)
    %mul3A_85 = arith.constant 8 : i32
    %mul3A_86 = arith.muli %arg1, %mul3A_85 : i32
    %add3A_87 = arith.constant 6 : i32
    %add3A_88 = arith.addi %mul3A_86, %add3A_87 : i32
    %mul3A_89 = arith.constant 14336 : i32
    %mul3A_90 = arith.muli %add3A_88, %mul3A_89 : i32
    %add3A_91 = arith.addi %mul3A_90, %mul3A_0 : i32
    %mul3A_92 = arith.constant 7168 : i32
    %mul3A_93 = arith.muli %add3A_88, %mul3A_92 : i32
    %dma_start3A_94 = arith.constant 0 : i32
    %dma_start3A_95 = tpu.memref_slice %arg10[%dma_start3A_94] : memref<2x!tpu.dma_semaphore, #tpu.memory_space<semaphore_mem>> -> memref<1x!tpu.dma_semaphore, #tpu.memory_space<semaphore_mem>>
    %dma_start3A_96 = tpu.memref_squeeze %dma_start3A_95 : memref<1x!tpu.dma_semaphore, #tpu.memory_space<semaphore_mem>> -> memref<!tpu.dma_semaphore, #tpu.memory_space<semaphore_mem>>
    %dma_start3A_97 = tpu.memref_slice %arg9[%mul3A_93] : memref<917504xf32, #tpu.memory_space<vmem_shared>> -> memref<7168xf32, #tpu.memory_space<vmem_shared>>
    %dma_start3A_98 = tpu.memref_slice %arg3[%add3A_91] : memref<1835008xf32, #tpu.memory_space<hbm>> -> memref<7168xf32, #tpu.memory_space<hbm>>
    tpu.enqueue_dma source(%dma_start3A_98 : memref<7168xf32, #tpu.memory_space<hbm>>) target(%dma_start3A_97 : memref<7168xf32, #tpu.memory_space<vmem_shared>>) target_semaphore(%dma_start3A_96 : memref<!tpu.dma_semaphore, #tpu.memory_space<semaphore_mem>>)
    %mul3A_99 = arith.constant 8 : i32
    %mul3A_100 = arith.muli %arg1, %mul3A_99 : i32
    %add3A_101 = arith.constant 7 : i32
    %add3A_102 = arith.addi %mul3A_100, %add3A_101 : i32
    %mul3A_103 = arith.constant 14336 : i32
    %mul3A_104 = arith.muli %add3A_102, %mul3A_103 : i32
    %add3A_105 = arith.addi %mul3A_104, %mul3A_0 : i32
    %mul3A_106 = arith.constant 7168 : i32
    %mul3A_107 = arith.muli %add3A_102, %mul3A_106 : i32
    %dma_start3A_108 = arith.constant 0 : i32
    %dma_start3A_109 = tpu.memref_slice %arg10[%dma_start3A_108] : memref<2x!tpu.dma_semaphore, #tpu.memory_space<semaphore_mem>> -> memref<1x!tpu.dma_semaphore, #tpu.memory_space<semaphore_mem>>
    %dma_start3A_110 = tpu.memref_squeeze %dma_start3A_109 : memref<1x!tpu.dma_semaphore, #tpu.memory_space<semaphore_mem>> -> memref<!tpu.dma_semaphore, #tpu.memory_space<semaphore_mem>>
    %dma_start3A_111 = tpu.memref_slice %arg9[%mul3A_107] : memref<917504xf32, #tpu.memory_space<vmem_shared>> -> memref<7168xf32, #tpu.memory_space<vmem_shared>>
    %dma_start3A_112 = tpu.memref_slice %arg3[%add3A_105] : memref<1835008xf32, #tpu.memory_space<hbm>> -> memref<7168xf32, #tpu.memory_space<hbm>>
    tpu.enqueue_dma source(%dma_start3A_112 : memref<7168xf32, #tpu.memory_space<hbm>>) target(%dma_start3A_111 : memref<7168xf32, #tpu.memory_space<vmem_shared>>) target_semaphore(%dma_start3A_110 : memref<!tpu.dma_semaphore, #tpu.memory_space<semaphore_mem>>)
    "tpu.region"() ({
      %run_scoped3A = tpu.sem_alloc : memref<!tpu.dma_semaphore, #tpu.memory_space<semaphore_mem>>
      %dma_start3A_133 = arith.constant 0 : i32
      %dma_start3A_134 = tpu.memref_slice %arg6[%dma_start3A_133] : memref<272xi32, #tpu.memory_space<vmem>> -> memref<256xi32, #tpu.memory_space<vmem>>
      %dma_start3A_135 = tpu.memref_slice %arg2[%mul3A_2] : memref<4096xi32, #tpu.memory_space<hbm>> -> memref<256xi32, #tpu.memory_space<hbm>>
      %dma_start3A_136 = arith.constant 0 : i32
      %dma_start3A_137 = tpu.memref_slice %arg6[%dma_start3A_136] : memref<272xi32, #tpu.memory_space<vmem>> -> memref<256xi32, #tpu.memory_space<vmem>>
      %dma_start3A_138 = tpu.memref_slice %arg2[%mul3A_2] : memref<4096xi32, #tpu.memory_space<hbm>> -> memref<256xi32, #tpu.memory_space<hbm>>
      tpu.enqueue_dma source(%dma_start3A_138 : memref<256xi32, #tpu.memory_space<hbm>>) target(%dma_start3A_137 : memref<256xi32, #tpu.memory_space<vmem>>) target_semaphore(%run_scoped3A : memref<!tpu.dma_semaphore, #tpu.memory_space<semaphore_mem>>)
      %dma_wait3A_139 = arith.constant 0 : i32
      %dma_wait3A_140 = tpu.memref_slice %arg6[%dma_wait3A_139] : memref<272xi32, #tpu.memory_space<vmem>> -> memref<256xi32, #tpu.memory_space<vmem>>
      %dma_wait3A_141 = tpu.memref_slice %arg2[%mul3A_2] : memref<4096xi32, #tpu.memory_space<hbm>> -> memref<256xi32, #tpu.memory_space<hbm>>
      %dma_wait3A_142 = arith.constant 0 : i32
      %dma_wait3A_143 = tpu.memref_slice %arg6[%dma_wait3A_142] : memref<272xi32, #tpu.memory_space<vmem>> -> memref<256xi32, #tpu.memory_space<vmem>>
      %dma_wait3A_144 = tpu.memref_slice %arg2[%mul3A_2] : memref<4096xi32, #tpu.memory_space<hbm>> -> memref<256xi32, #tpu.memory_space<hbm>>
      tpu.wait_dma2 semaphore(%run_scoped3A : memref<!tpu.dma_semaphore, #tpu.memory_space<semaphore_mem>>) src(%dma_wait3A_144 : memref<256xi32, #tpu.memory_space<hbm>>) dst(%dma_wait3A_143 : memref<256xi32, #tpu.memory_space<vmem>>)
      tpu.yield
    }) : () -> ()
    %mul3A_113 = arith.constant 8 : i32
    %mul3A_114 = arith.muli %arg1, %mul3A_113 : i32
    %mul3A_115 = arith.constant 7168 : i32
    %mul3A_116 = arith.muli %mul3A_114, %mul3A_115 : i32
    %dma_wait3A = arith.constant 0 : i32
    %dma_wait3A_117 = tpu.memref_slice %arg10[%dma_wait3A] : memref<2x!tpu.dma_semaphore, #tpu.memory_space<semaphore_mem>> -> memref<1x!tpu.dma_semaphore, #tpu.memory_space<semaphore_mem>>
    %dma_wait3A_118 = tpu.memref_squeeze %dma_wait3A_117 : memref<1x!tpu.dma_semaphore, #tpu.memory_space<semaphore_mem>> -> memref<!tpu.dma_semaphore, #tpu.memory_space<semaphore_mem>>
    %dma_wait3A_119 = tpu.memref_slice %arg9[%mul3A_116] : memref<917504xf32, #tpu.memory_space<vmem_shared>> -> memref<57344xf32, #tpu.memory_space<vmem_shared>>
    %dma_wait3A_120 = arith.constant 0 : i32
    %dma_wait3A_121 = tpu.memref_slice %arg3[%dma_wait3A_120] : memref<1835008xf32, #tpu.memory_space<hbm>> -> memref<57344xf32, #tpu.memory_space<hbm>>
    tpu.wait_dma2 semaphore(%dma_wait3A_118 : memref<!tpu.dma_semaphore, #tpu.memory_space<semaphore_mem>>) src(%dma_wait3A_121 : memref<57344xf32, #tpu.memory_space<hbm>>) dst(%dma_wait3A_119 : memref<57344xf32, #tpu.memory_space<vmem_shared>>)
    %scan3A = arith.constant 0 : i32
    %scan3A_122 = arith.constant 0 : i32
    %scan3A_123 = arith.constant 16 : i32
    %scan3A_124 = arith.addi %scan3A_122, %scan3A_123 : i32
    %scan3A_125 = arith.constant 1 : i32
    scf.for %scan3A_133 = %scan3A_122 to %scan3A_124 step %scan3A_125  : i32 {
      %mul3A_134 = arith.constant 16 : i32
      %mul3A_135 = arith.muli %mul3A_134, %scan3A_133 : i32
      %get3A = arith.index_cast %mul3A_135 : i32 to index
      %get3A_136 = tpu.vector_load %arg6[%get3A] {strides = array<i32>} : memref<272xi32, #tpu.memory_space<vmem>>, vector<16xi32>,
      %get3A_137 = vector.shape_cast %get3A_136 : vector<16xi32> to vector<16xi32>
      %mul3A_138 = arith.constant 4 : i32
      %mul3A_139 = vector.broadcast %mul3A_138 : i32 to vector<16xi32>
      %mul3A_140 = arith.muli %mul3A_139, %get3A_137 : vector<16xi32>
      %mul3A_141 = arith.constant 2 : i32
      %mul3A_142 = arith.muli %mul3A_141, %arg0 : i32
      %add3A_143 = vector.broadcast %mul3A_142 : i32 to vector<16xi32>
      %add3A_144 = arith.addi %mul3A_140, %add3A_143 : vector<16xi32>
      %mul3A_145 = arith.constant 16 : i32
      %mul3A_146 = arith.muli %mul3A_145, %scan3A_133 : i32
      %swap3A = arith.index_cast %mul3A_146 : i32 to index
      %swap3A_147 = tpu.vector_load %arg7[%swap3A] {strides = array<i32>} : memref<512xi32, #tpu.memory_space<vmem>>, vector<16xi32>,
      %swap3A_148 = vector.shape_cast %swap3A_147 : vector<16xi32> to vector<16xi32>
      %swap3A_149 = vector.shape_cast %add3A_144 : vector<16xi32> to vector<16xi32>
      tpu.vector_store %arg7[%swap3A], %swap3A_149 {strides = array<i32>} : memref<512xi32, #tpu.memory_space<vmem>>, vector<16xi32>,
      %mul3A_150 = arith.constant 4 : i32
      %mul3A_151 = vector.broadcast %mul3A_150 : i32 to vector<16xi32>
      %mul3A_152 = arith.muli %mul3A_151, %get3A_137 : vector<16xi32>
      %mul3A_153 = arith.constant 2 : i32
      %mul3A_154 = arith.muli %mul3A_153, %arg0 : i32
      %add3A_155 = vector.broadcast %mul3A_154 : i32 to vector<16xi32>
      %add3A_156 = arith.addi %mul3A_152, %add3A_155 : vector<16xi32>
      %add3A_157 = arith.constant 1 : i32
      %add3A_158 = vector.broadcast %add3A_157 : i32 to vector<16xi32>
      %add3A_159 = arith.addi %add3A_156, %add3A_158 : vector<16xi32>
      %mul3A_160 = arith.constant 16 : i32
      %mul3A_161 = arith.muli %mul3A_160, %scan3A_133 : i32
      %add3A_162 = arith.constant 256 : i32
      %add3A_163 = arith.addi %add3A_162, %mul3A_161 : i32
      %swap3A_164 = arith.index_cast %add3A_163 : i32 to index
      %swap3A_165 = tpu.vector_load %arg7[%swap3A_164] {strides = array<i32>} : memref<512xi32, #tpu.memory_space<vmem>>, vector<16xi32>,
      %swap3A_166 = vector.shape_cast %swap3A_165 : vector<16xi32> to vector<16xi32>
      %swap3A_167 = vector.shape_cast %add3A_159 : vector<16xi32> to vector<16xi32>
      tpu.vector_store %arg7[%swap3A_164], %swap3A_167 {strides = array<i32>} : memref<512xi32, #tpu.memory_space<vmem>>, vector<16xi32>,
    }
    %scan3A_126 = arith.constant 16 : i32
    %barrier3A = arith.constant 0 : index
    tpu.barrier barrier_id(%barrier3A)
    %scan3A_127 = arith.constant 0 : i32
    %scan3A_128 = arith.constant 0 : i32
    %scan3A_129 = arith.constant 65 : i32
    %scan3A_130 = arith.addi %scan3A_128, %scan3A_129 : i32
    %scan3A_131 = arith.constant 1 : i32
    scf.for %scan3A_133 = %scan3A_128 to %scan3A_130 step %scan3A_131  : i32 {
      %rem3A = arith.constant 2 : i32
      %rem3A_134 = arith.remsi %scan3A_133, %rem3A : i32
      %min3A = arith.constant 63 : i32
      %min3A_135 = arith.minsi %scan3A_133, %min3A : i32
      %div3A = arith.constant 2 : i32
      %div3A_136 = arith.divsi %min3A_135, %div3A : i32
      %rem3A_137 = arith.constant 2 : i32
      %rem3A_138 = arith.remsi %min3A_135, %rem3A_137 : i32
      %lt3A = arith.constant 64 : i32
      %lt3A_139 = arith.cmpi slt, %scan3A_133, %lt3A : i32
      %rem3A_140 = arith.constant 3 : i32
      %rem3A_141 = arith.remsi %min3A_135, %rem3A_140 : i32
      %eq3A = arith.constant 2 : i32
      %eq3A_142 = arith.cmpi eq, %rem3A_141, %eq3A : i32
      %and3A = arith.andi %lt3A_139, %eq3A_142 : i1
      %convert_element_type3A = arith.extui %and3A : i1 to i32
      %cond3A = arith.constant 0 : i32
      %cond3A_143 = arith.cmpi ne, %convert_element_type3A, %cond3A : i32
      scf.if %cond3A_143 {
        %mul3A_153 = arith.constant 256 : i32
        %mul3A_154 = arith.muli %mul3A_153, %rem3A_138 : i32
        %mul3A_155 = arith.constant 8 : i32
        %mul3A_156 = arith.muli %mul3A_155, %div3A_136 : i32
        %add3A_157 = arith.addi %mul3A_154, %mul3A_156 : i32
        %dma_start3A_158 = arith.constant 0 : i32
        %dma_start3A_159 = arith.constant 0 : i32
        %dma_start3A_160 = tpu.memref_slice %arg8[%rem3A_134, %dma_start3A_158, %dma_start3A_159] : memref<2x8x3584xf32, #tpu.memory_space<vmem>> -> memref<1x8x3584xf32, #tpu.memory_space<vmem>>
        %dma_start3A_161 = tpu.memref_squeeze %dma_start3A_160 : memref<1x8x3584xf32, #tpu.memory_space<vmem>> -> memref<8x3584xf32, #tpu.memory_space<vmem>>
        %dma_start3A_162 = tpu.memref_slice %arg7[%add3A_157] : memref<512xi32, #tpu.memory_space<vmem>> -> memref<8xi32, #tpu.memory_space<vmem>>
        %dma_start3A_163 = arith.constant 0 : i32
        %dma_start3A_164 = arith.constant 0 : i32
        %dma_start3A_165 = tpu.memref_slice %arg4[%dma_start3A_163, %dma_start3A_164] : memref<512x3584xf32, #tpu.memory_space<hbm>> -> memref<512x3584xf32, #tpu.memory_space<hbm>>
        %dma_start3A_166 = tpu.memref_slice %arg10[%rem3A_134] : memref<2x!tpu.dma_semaphore, #tpu.memory_space<semaphore_mem>> -> memref<1x!tpu.dma_semaphore, #tpu.memory_space<semaphore_mem>>
        %dma_start3A_167 = tpu.memref_squeeze %dma_start3A_166 : memref<1x!tpu.dma_semaphore, #tpu.memory_space<semaphore_mem>> -> memref<!tpu.dma_semaphore, #tpu.memory_space<semaphore_mem>>
        tpu.enqueue_indirect_dma source(%dma_start3A_165 : memref<512x3584xf32, #tpu.memory_space<hbm>>) target(%dma_start3A_161 : memref<8x3584xf32, #tpu.memory_space<vmem>>) offsets(%dma_start3A_162 : memref<8xi32, #tpu.memory_space<vmem>>) semaphore(%dma_start3A_167 : memref<!tpu.dma_semaphore, #tpu.memory_space<semaphore_mem>>)
      } else {
      }
      %not3A = arith.constant true
      %not3A_144 = arith.xori %eq3A_142, %not3A : i1
      %and3A_145 = arith.andi %lt3A_139, %not3A_144 : i1
      %convert_element_type3A_146 = arith.extui %and3A_145 : i1 to i32
      %cond3A_147 = arith.constant 0 : i32
      %cond3A_148 = arith.cmpi ne, %convert_element_type3A_146, %cond3A_147 : i32
      scf.if %cond3A_148 {
        %mul3A_153 = arith.constant 8 : i32
        %mul3A_154 = arith.muli %mul3A_153, %div3A_136 : i32
        %get3A = arith.index_cast %mul3A_154 : i32 to index
        %get3A_155 = tpu.vector_load %arg6[%get3A] {strides = array<i32>} : memref<272xi32, #tpu.memory_space<vmem>>, vector<16xi32>,
        %get3A_156 = vector.shape_cast %get3A_155 : vector<16xi32> to vector<16xi32>
        %slice3A = vector.extract_strided_slice %get3A_156 {offsets = [0], sizes = [1], strides = [1]} : vector<16xi32> to vector<1xi32>
        %squeeze3A = vector.extract %slice3A[0] : i32 from vector<1xi32>
        %mul3A_157 = arith.constant 7168 : i32
        %mul3A_158 = arith.muli %squeeze3A, %mul3A_157 : i32
        %mul3A_159 = arith.constant 3584 : i32
        %mul3A_160 = arith.muli %rem3A_138, %mul3A_159 : i32
        %add3A_161 = arith.addi %mul3A_158, %mul3A_160 : i32
        %dma_start3A_162 = arith.constant 0 : i32
        %dma_start3A_163 = arith.constant 0 : i32
        %dma_start3A_164 = arith.constant 0 : i32
        %dma_start3A_165 = tpu.memref_slice %arg8[%rem3A_134, %dma_start3A_163, %dma_start3A_164] : memref<2x8x3584xf32, #tpu.memory_space<vmem>> -> memref<1x8x3584xf32, #tpu.memory_space<vmem>>
        %dma_start3A_166 = tpu.memref_squeeze %dma_start3A_165 : memref<1x8x3584xf32, #tpu.memory_space<vmem>> -> memref<8x3584xf32, #tpu.memory_space<vmem>>
        %dma_start3A_167 = arith.constant 0 : i32
        %dma_start3A_168 = tpu.memref_slice %dma_start3A_166[%dma_start3A_162, %dma_start3A_167] : memref<8x3584xf32, #tpu.memory_space<vmem>> -> memref<1x3584xf32, #tpu.memory_space<vmem>>
        %dma_start3A_169 = tpu.memref_squeeze %dma_start3A_168 : memref<1x3584xf32, #tpu.memory_space<vmem>> -> memref<3584xf32, #tpu.memory_space<vmem>>
        %dma_start3A_170 = tpu.memref_slice %arg9[%add3A_161] : memref<917504xf32, #tpu.memory_space<vmem_shared>> -> memref<3584xf32, #tpu.memory_space<vmem_shared>>
        %dma_start3A_171 = tpu.memref_slice %arg10[%rem3A_134] : memref<2x!tpu.dma_semaphore, #tpu.memory_space<semaphore_mem>> -> memref<1x!tpu.dma_semaphore, #tpu.memory_space<semaphore_mem>>
        %dma_start3A_172 = tpu.memref_squeeze %dma_start3A_171 : memref<1x!tpu.dma_semaphore, #tpu.memory_space<semaphore_mem>> -> memref<!tpu.dma_semaphore, #tpu.memory_space<semaphore_mem>>
        %dma_start3A_173 = arith.constant 0 : i32
        %dma_start3A_174 = arith.constant 0 : i32
        %dma_start3A_175 = tpu.memref_slice %arg8[%rem3A_134, %dma_start3A_173, %dma_start3A_174] : memref<2x8x3584xf32, #tpu.memory_space<vmem>> -> memref<1x8x3584xf32, #tpu.memory_space<vmem>>
        %dma_start3A_176 = tpu.memref_squeeze %dma_start3A_175 : memref<1x8x3584xf32, #tpu.memory_space<vmem>> -> memref<8x3584xf32, #tpu.memory_space<vmem>>
        %dma_start3A_177 = arith.constant 0 : i32
        %dma_start3A_178 = tpu.memref_slice %dma_start3A_176[%dma_start3A_162, %dma_start3A_177] : memref<8x3584xf32, #tpu.memory_space<vmem>> -> memref<1x3584xf32, #tpu.memory_space<vmem>>
        %dma_start3A_179 = tpu.memref_squeeze %dma_start3A_178 : memref<1x3584xf32, #tpu.memory_space<vmem>> -> memref<3584xf32, #tpu.memory_space<vmem>>
        %dma_start3A_180 = tpu.memref_slice %arg9[%add3A_161] : memref<917504xf32, #tpu.memory_space<vmem_shared>> -> memref<3584xf32, #tpu.memory_space<vmem_shared>>
        tpu.enqueue_dma source(%dma_start3A_180 : memref<3584xf32, #tpu.memory_space<vmem_shared>>) target(%dma_start3A_179 : memref<3584xf32, #tpu.memory_space<vmem>>) target_semaphore(%dma_start3A_172 : memref<!tpu.dma_semaphore, #tpu.memory_space<semaphore_mem>>)
        %slice3A_181 = vector.extract_strided_slice %get3A_156 {offsets = [1], sizes = [1], strides = [1]} : vector<16xi32> to vector<1xi32>
        %squeeze3A_182 = vector.extract %slice3A_181[0] : i32 from vector<1xi32>
        %mul3A_183 = arith.constant 7168 : i32
        %mul3A_184 = arith.muli %squeeze3A_182, %mul3A_183 : i32
        %mul3A_185 = arith.constant 3584 : i32
        %mul3A_186 = arith.muli %rem3A_138, %mul3A_185 : i32
        %add3A_187 = arith.addi %mul3A_184, %mul3A_186 : i32
        %dma_start3A_188 = arith.constant 1 : i32
        %dma_start3A_189 = arith.constant 0 : i32
        %dma_start3A_190 = arith.constant 0 : i32
        %dma_start3A_191 = tpu.memref_slice %arg8[%rem3A_134, %dma_start3A_189, %dma_start3A_190] : memref<2x8x3584xf32, #tpu.memory_space<vmem>> -> memref<1x8x3584xf32, #tpu.memory_space<vmem>>
        %dma_start3A_192 = tpu.memref_squeeze %dma_start3A_191 : memref<1x8x3584xf32, #tpu.memory_space<vmem>> -> memref<8x3584xf32, #tpu.memory_space<vmem>>
        %dma_start3A_193 = arith.constant 0 : i32
        %dma_start3A_194 = tpu.memref_slice %dma_start3A_192[%dma_start3A_188, %dma_start3A_193] : memref<8x3584xf32, #tpu.memory_space<vmem>> -> memref<1x3584xf32, #tpu.memory_space<vmem>>
        %dma_start3A_195 = tpu.memref_squeeze %dma_start3A_194 : memref<1x3584xf32, #tpu.memory_space<vmem>> -> memref<3584xf32, #tpu.memory_space<vmem>>
        %dma_start3A_196 = tpu.memref_slice %arg9[%add3A_187] : memref<917504xf32, #tpu.memory_space<vmem_shared>> -> memref<3584xf32, #tpu.memory_space<vmem_shared>>
        %dma_start3A_197 = tpu.memref_slice %arg10[%rem3A_134] : memref<2x!tpu.dma_semaphore, #tpu.memory_space<semaphore_mem>> -> memref<1x!tpu.dma_semaphore, #tpu.memory_space<semaphore_mem>>
        %dma_start3A_198 = tpu.memref_squeeze %dma_start3A_197 : memref<1x!tpu.dma_semaphore, #tpu.memory_space<semaphore_mem>> -> memref<!tpu.dma_semaphore, #tpu.memory_space<semaphore_mem>>
        %dma_start3A_199 = arith.constant 0 : i32
        %dma_start3A_200 = arith.constant 0 : i32
        %dma_start3A_201 = tpu.memref_slice %arg8[%rem3A_134, %dma_start3A_199, %dma_start3A_200] : memref<2x8x3584xf32, #tpu.memory_space<vmem>> -> memref<1x8x3584xf32, #tpu.memory_space<vmem>>
        %dma_start3A_202 = tpu.memref_squeeze %dma_start3A_201 : memref<1x8x3584xf32, #tpu.memory_space<vmem>> -> memref<8x3584xf32, #tpu.memory_space<vmem>>
        %dma_start3A_203 = arith.constant 0 : i32
        %dma_start3A_204 = tpu.memref_slice %dma_start3A_202[%dma_start3A_188, %dma_start3A_203] : memref<8x3584xf32, #tpu.memory_space<vmem>> -> memref<1x3584xf32, #tpu.memory_space<vmem>>
        %dma_start3A_205 = tpu.memref_squeeze %dma_start3A_204 : memref<1x3584xf32, #tpu.memory_space<vmem>> -> memref<3584xf32, #tpu.memory_space<vmem>>
        %dma_start3A_206 = tpu.memref_slice %arg9[%add3A_187] : memref<917504xf32, #tpu.memory_space<vmem_shared>> -> memref<3584xf32, #tpu.memory_space<vmem_shared>>
        tpu.enqueue_dma source(%dma_start3A_206 : memref<3584xf32, #tpu.memory_space<vmem_shared>>) target(%dma_start3A_205 : memref<3584xf32, #tpu.memory_space<vmem>>) target_semaphore(%dma_start3A_198 : memref<!tpu.dma_semaphore, #tpu.memory_space<semaphore_mem>>)
        %slice3A_207 = vector.extract_strided_slice %get3A_156 {offsets = [2], sizes = [1], strides = [1]} : vector<16xi32> to vector<1xi32>
        %squeeze3A_208 = vector.extract %slice3A_207[0] : i32 from vector<1xi32>
        %mul3A_209 = arith.constant 7168 : i32
        %mul3A_210 = arith.muli %squeeze3A_208, %mul3A_209 : i32
        %mul3A_211 = arith.constant 3584 : i32
        %mul3A_212 = arith.muli %rem3A_138, %mul3A_211 : i32
        %add3A_213 = arith.addi %mul3A_210, %mul3A_212 : i32
        %dma_start3A_214 = arith.constant 2 : i32
        %dma_start3A_215 = arith.constant 0 : i32
        %dma_start3A_216 = arith.constant 0 : i32
        %dma_start3A_217 = tpu.memref_slice %arg8[%rem3A_134, %dma_start3A_215, %dma_start3A_216] : memref<2x8x3584xf32, #tpu.memory_space<vmem>> -> memref<1x8x3584xf32, #tpu.memory_space<vmem>>
        %dma_start3A_218 = tpu.memref_squeeze %dma_start3A_217 : memref<1x8x3584xf32, #tpu.memory_space<vmem>> -> memref<8x3584xf32, #tpu.memory_space<vmem>>
        %dma_start3A_219 = arith.constant 0 : i32
        %dma_start3A_220 = tpu.memref_slice %dma_start3A_218[%dma_start3A_214, %dma_start3A_219] : memref<8x3584xf32, #tpu.memory_space<vmem>> -> memref<1x3584xf32, #tpu.memory_space<vmem>>
        %dma_start3A_221 = tpu.memref_squeeze %dma_start3A_220 : memref<1x3584xf32, #tpu.memory_space<vmem>> -> memref<3584xf32, #tpu.memory_space<vmem>>
        %dma_start3A_222 = tpu.memref_slice %arg9[%add3A_213] : memref<917504xf32, #tpu.memory_space<vmem_shared>> -> memref<3584xf32, #tpu.memory_space<vmem_shared>>
        %dma_start3A_223 = tpu.memref_slice %arg10[%rem3A_134] : memref<2x!tpu.dma_semaphore, #tpu.memory_space<semaphore_mem>> -> memref<1x!tpu.dma_semaphore, #tpu.memory_space<semaphore_mem>>
        %dma_start3A_224 = tpu.memref_squeeze %dma_start3A_223 : memref<1x!tpu.dma_semaphore, #tpu.memory_space<semaphore_mem>> -> memref<!tpu.dma_semaphore, #tpu.memory_space<semaphore_mem>>
        %dma_start3A_225 = arith.constant 0 : i32
        %dma_start3A_226 = arith.constant 0 : i32
        %dma_start3A_227 = tpu.memref_slice %arg8[%rem3A_134, %dma_start3A_225, %dma_start3A_226] : memref<2x8x3584xf32, #tpu.memory_space<vmem>> -> memref<1x8x3584xf32, #tpu.memory_space<vmem>>
        %dma_start3A_228 = tpu.memref_squeeze %dma_start3A_227 : memref<1x8x3584xf32, #tpu.memory_space<vmem>> -> memref<8x3584xf32, #tpu.memory_space<vmem>>
        %dma_start3A_229 = arith.constant 0 : i32
        %dma_start3A_230 = tpu.memref_slice %dma_start3A_228[%dma_start3A_214, %dma_start3A_229] : memref<8x3584xf32, #tpu.memory_space<vmem>> -> memref<1x3584xf32, #tpu.memory_space<vmem>>
        %dma_start3A_231 = tpu.memref_squeeze %dma_start3A_230 : memref<1x3584xf32, #tpu.memory_space<vmem>> -> memref<3584xf32, #tpu.memory_space<vmem>>
        %dma_start3A_232 = tpu.memref_slice %arg9[%add3A_213] : memref<917504xf32, #tpu.memory_space<vmem_shared>> -> memref<3584xf32, #tpu.memory_space<vmem_shared>>
        tpu.enqueue_dma source(%dma_start3A_232 : memref<3584xf32, #tpu.memory_space<vmem_shared>>) target(%dma_start3A_231 : memref<3584xf32, #tpu.memory_space<vmem>>) target_semaphore(%dma_start3A_224 : memref<!tpu.dma_semaphore, #tpu.memory_space<semaphore_mem>>)
        %slice3A_233 = vector.extract_strided_slice %get3A_156 {offsets = [3], sizes = [1], strides = [1]} : vector<16xi32> to vector<1xi32>
        %squeeze3A_234 = vector.extract %slice3A_233[0] : i32 from vector<1xi32>
        %mul3A_235 = arith.constant 7168 : i32
        %mul3A_236 = arith.muli %squeeze3A_234, %mul3A_235 : i32
        %mul3A_237 = arith.constant 3584 : i32
        %mul3A_238 = arith.muli %rem3A_138, %mul3A_237 : i32
        %add3A_239 = arith.addi %mul3A_236, %mul3A_238 : i32
        %dma_start3A_240 = arith.constant 3 : i32
        %dma_start3A_241 = arith.constant 0 : i32
        %dma_start3A_242 = arith.constant 0 : i32
        %dma_start3A_243 = tpu.memref_slice %arg8[%rem3A_134, %dma_start3A_241, %dma_start3A_242] : memref<2x8x3584xf32, #tpu.memory_space<vmem>> -> memref<1x8x3584xf32, #tpu.memory_space<vmem>>
        %dma_start3A_244 = tpu.memref_squeeze %dma_start3A_243 : memref<1x8x3584xf32, #tpu.memory_space<vmem>> -> memref<8x3584xf32, #tpu.memory_space<vmem>>
        %dma_start3A_245 = arith.constant 0 : i32
        %dma_start3A_246 = tpu.memref_slice %dma_start3A_244[%dma_start3A_240, %dma_start3A_245] : memref<8x3584xf32, #tpu.memory_space<vmem>> -> memref<1x3584xf32, #tpu.memory_space<vmem>>
        %dma_start3A_247 = tpu.memref_squeeze %dma_start3A_246 : memref<1x3584xf32, #tpu.memory_space<vmem>> -> memref<3584xf32, #tpu.memory_space<vmem>>
        %dma_start3A_248 = tpu.memref_slice %arg9[%add3A_239] : memref<917504xf32, #tpu.memory_space<vmem_shared>> -> memref<3584xf32, #tpu.memory_space<vmem_shared>>
        %dma_start3A_249 = tpu.memref_slice %arg10[%rem3A_134] : memref<2x!tpu.dma_semaphore, #tpu.memory_space<semaphore_mem>> -> memref<1x!tpu.dma_semaphore, #tpu.memory_space<semaphore_mem>>
        %dma_start3A_250 = tpu.memref_squeeze %dma_start3A_249 : memref<1x!tpu.dma_semaphore, #tpu.memory_space<semaphore_mem>> -> memref<!tpu.dma_semaphore, #tpu.memory_space<semaphore_mem>>
        %dma_start3A_251 = arith.constant 0 : i32
        %dma_start3A_252 = arith.constant 0 : i32
        %dma_start3A_253 = tpu.memref_slice %arg8[%rem3A_134, %dma_start3A_251, %dma_start3A_252] : memref<2x8x3584xf32, #tpu.memory_space<vmem>> -> memref<1x8x3584xf32, #tpu.memory_space<vmem>>
        %dma_start3A_254 = tpu.memref_squeeze %dma_start3A_253 : memref<1x8x3584xf32, #tpu.memory_space<vmem>> -> memref<8x3584xf32, #tpu.memory_space<vmem>>
        %dma_start3A_255 = arith.constant 0 : i32
        %dma_start3A_256 = tpu.memref_slice %dma_start3A_254[%dma_start3A_240, %dma_start3A_255] : memref<8x3584xf32, #tpu.memory_space<vmem>> -> memref<1x3584xf32, #tpu.memory_space<vmem>>
        %dma_start3A_257 = tpu.memref_squeeze %dma_start3A_256 : memref<1x3584xf32, #tpu.memory_space<vmem>> -> memref<3584xf32, #tpu.memory_space<vmem>>
        %dma_start3A_258 = tpu.memref_slice %arg9[%add3A_239] : memref<917504xf32, #tpu.memory_space<vmem_shared>> -> memref<3584xf32, #tpu.memory_space<vmem_shared>>
        tpu.enqueue_dma source(%dma_start3A_258 : memref<3584xf32, #tpu.memory_space<vmem_shared>>) target(%dma_start3A_257 : memref<3584xf32, #tpu.memory_space<vmem>>) target_semaphore(%dma_start3A_250 : memref<!tpu.dma_semaphore, #tpu.memory_space<semaphore_mem>>)
        %slice3A_259 = vector.extract_strided_slice %get3A_156 {offsets = [4], sizes = [1], strides = [1]} : vector<16xi32> to vector<1xi32>
        %squeeze3A_260 = vector.extract %slice3A_259[0] : i32 from vector<1xi32>
        %mul3A_261 = arith.constant 7168 : i32
        %mul3A_262 = arith.muli %squeeze3A_260, %mul3A_261 : i32
        %mul3A_263 = arith.constant 3584 : i32
        %mul3A_264 = arith.muli %rem3A_138, %mul3A_263 : i32
        %add3A_265 = arith.addi %mul3A_262, %mul3A_264 : i32
        %dma_start3A_266 = arith.constant 4 : i32
        %dma_start3A_267 = arith.constant 0 : i32
        %dma_start3A_268 = arith.constant 0 : i32
        %dma_start3A_269 = tpu.memref_slice %arg8[%rem3A_134, %dma_start3A_267, %dma_start3A_268] : memref<2x8x3584xf32, #tpu.memory_space<vmem>> -> memref<1x8x3584xf32, #tpu.memory_space<vmem>>
        %dma_start3A_270 = tpu.memref_squeeze %dma_start3A_269 : memref<1x8x3584xf32, #tpu.memory_space<vmem>> -> memref<8x3584xf32, #tpu.memory_space<vmem>>
        %dma_start3A_271 = arith.constant 0 : i32
        %dma_start3A_272 = tpu.memref_slice %dma_start3A_270[%dma_start3A_266, %dma_start3A_271] : memref<8x3584xf32, #tpu.memory_space<vmem>> -> memref<1x3584xf32, #tpu.memory_space<vmem>>
        %dma_start3A_273 = tpu.memref_squeeze %dma_start3A_272 : memref<1x3584xf32, #tpu.memory_space<vmem>> -> memref<3584xf32, #tpu.memory_space<vmem>>
        %dma_start3A_274 = tpu.memref_slice %arg9[%add3A_265] : memref<917504xf32, #tpu.memory_space<vmem_shared>> -> memref<3584xf32, #tpu.memory_space<vmem_shared>>
        %dma_start3A_275 = tpu.memref_slice %arg10[%rem3A_134] : memref<2x!tpu.dma_semaphore, #tpu.memory_space<semaphore_mem>> -> memref<1x!tpu.dma_semaphore, #tpu.memory_space<semaphore_mem>>
        %dma_start3A_276 = tpu.memref_squeeze %dma_start3A_275 : memref<1x!tpu.dma_semaphore, #tpu.memory_space<semaphore_mem>> -> memref<!tpu.dma_semaphore, #tpu.memory_space<semaphore_mem>>
        %dma_start3A_277 = arith.constant 0 : i32
        %dma_start3A_278 = arith.constant 0 : i32
        %dma_start3A_279 = tpu.memref_slice %arg8[%rem3A_134, %dma_start3A_277, %dma_start3A_278] : memref<2x8x3584xf32, #tpu.memory_space<vmem>> -> memref<1x8x3584xf32, #tpu.memory_space<vmem>>
        %dma_start3A_280 = tpu.memref_squeeze %dma_start3A_279 : memref<1x8x3584xf32, #tpu.memory_space<vmem>> -> memref<8x3584xf32, #tpu.memory_space<vmem>>
        %dma_start3A_281 = arith.constant 0 : i32
        %dma_start3A_282 = tpu.memref_slice %dma_start3A_280[%dma_start3A_266, %dma_start3A_281] : memref<8x3584xf32, #tpu.memory_space<vmem>> -> memref<1x3584xf32, #tpu.memory_space<vmem>>
        %dma_start3A_283 = tpu.memref_squeeze %dma_start3A_282 : memref<1x3584xf32, #tpu.memory_space<vmem>> -> memref<3584xf32, #tpu.memory_space<vmem>>
        %dma_start3A_284 = tpu.memref_slice %arg9[%add3A_265] : memref<917504xf32, #tpu.memory_space<vmem_shared>> -> memref<3584xf32, #tpu.memory_space<vmem_shared>>
        tpu.enqueue_dma source(%dma_start3A_284 : memref<3584xf32, #tpu.memory_space<vmem_shared>>) target(%dma_start3A_283 : memref<3584xf32, #tpu.memory_space<vmem>>) target_semaphore(%dma_start3A_276 : memref<!tpu.dma_semaphore, #tpu.memory_space<semaphore_mem>>)
        %slice3A_285 = vector.extract_strided_slice %get3A_156 {offsets = [5], sizes = [1], strides = [1]} : vector<16xi32> to vector<1xi32>
        %squeeze3A_286 = vector.extract %slice3A_285[0] : i32 from vector<1xi32>
        %mul3A_287 = arith.constant 7168 : i32
        %mul3A_288 = arith.muli %squeeze3A_286, %mul3A_287 : i32
        %mul3A_289 = arith.constant 3584 : i32
        %mul3A_290 = arith.muli %rem3A_138, %mul3A_289 : i32
        %add3A_291 = arith.addi %mul3A_288, %mul3A_290 : i32
        %dma_start3A_292 = arith.constant 5 : i32
        %dma_start3A_293 = arith.constant 0 : i32
        %dma_start3A_294 = arith.constant 0 : i32
        %dma_start3A_295 = tpu.memref_slice %arg8[%rem3A_134, %dma_start3A_293, %dma_start3A_294] : memref<2x8x3584xf32, #tpu.memory_space<vmem>> -> memref<1x8x3584xf32, #tpu.memory_space<vmem>>
        %dma_start3A_296 = tpu.memref_squeeze %dma_start3A_295 : memref<1x8x3584xf32, #tpu.memory_space<vmem>> -> memref<8x3584xf32, #tpu.memory_space<vmem>>
        %dma_start3A_297 = arith.constant 0 : i32
        %dma_start3A_298 = tpu.memref_slice %dma_start3A_296[%dma_start3A_292, %dma_start3A_297] : memref<8x3584xf32, #tpu.memory_space<vmem>> -> memref<1x3584xf32, #tpu.memory_space<vmem>>
        %dma_start3A_299 = tpu.memref_squeeze %dma_start3A_298 : memref<1x3584xf32, #tpu.memory_space<vmem>> -> memref<3584xf32, #tpu.memory_space<vmem>>
        %dma_start3A_300 = tpu.memref_slice %arg9[%add3A_291] : memref<917504xf32, #tpu.memory_space<vmem_shared>> -> memref<3584xf32, #tpu.memory_space<vmem_shared>>
        %dma_start3A_301 = tpu.memref_slice %arg10[%rem3A_134] : memref<2x!tpu.dma_semaphore, #tpu.memory_space<semaphore_mem>> -> memref<1x!tpu.dma_semaphore, #tpu.memory_space<semaphore_mem>>
        %dma_start3A_302 = tpu.memref_squeeze %dma_start3A_301 : memref<1x!tpu.dma_semaphore, #tpu.memory_space<semaphore_mem>> -> memref<!tpu.dma_semaphore, #tpu.memory_space<semaphore_mem>>
        %dma_start3A_303 = arith.constant 0 : i32
        %dma_start3A_304 = arith.constant 0 : i32
        %dma_start3A_305 = tpu.memref_slice %arg8[%rem3A_134, %dma_start3A_303, %dma_start3A_304] : memref<2x8x3584xf32, #tpu.memory_space<vmem>> -> memref<1x8x3584xf32, #tpu.memory_space<vmem>>
        %dma_start3A_306 = tpu.memref_squeeze %dma_start3A_305 : memref<1x8x3584xf32, #tpu.memory_space<vmem>> -> memref<8x3584xf32, #tpu.memory_space<vmem>>
        %dma_start3A_307 = arith.constant 0 : i32
        %dma_start3A_308 = tpu.memref_slice %dma_start3A_306[%dma_start3A_292, %dma_start3A_307] : memref<8x3584xf32, #tpu.memory_space<vmem>> -> memref<1x3584xf32, #tpu.memory_space<vmem>>
        %dma_start3A_309 = tpu.memref_squeeze %dma_start3A_308 : memref<1x3584xf32, #tpu.memory_space<vmem>> -> memref<3584xf32, #tpu.memory_space<vmem>>
        %dma_start3A_310 = tpu.memref_slice %arg9[%add3A_291] : memref<917504xf32, #tpu.memory_space<vmem_shared>> -> memref<3584xf32, #tpu.memory_space<vmem_shared>>
        tpu.enqueue_dma source(%dma_start3A_310 : memref<3584xf32, #tpu.memory_space<vmem_shared>>) target(%dma_start3A_309 : memref<3584xf32, #tpu.memory_space<vmem>>) target_semaphore(%dma_start3A_302 : memref<!tpu.dma_semaphore, #tpu.memory_space<semaphore_mem>>)
        %slice3A_311 = vector.extract_strided_slice %get3A_156 {offsets = [6], sizes = [1], strides = [1]} : vector<16xi32> to vector<1xi32>
        %squeeze3A_312 = vector.extract %slice3A_311[0] : i32 from vector<1xi32>
        %mul3A_313 = arith.constant 7168 : i32
        %mul3A_314 = arith.muli %squeeze3A_312, %mul3A_313 : i32
        %mul3A_315 = arith.constant 3584 : i32
        %mul3A_316 = arith.muli %rem3A_138, %mul3A_315 : i32
        %add3A_317 = arith.addi %mul3A_314, %mul3A_316 : i32
        %dma_start3A_318 = arith.constant 6 : i32
        %dma_start3A_319 = arith.constant 0 : i32
        %dma_start3A_320 = arith.constant 0 : i32
        %dma_start3A_321 = tpu.memref_slice %arg8[%rem3A_134, %dma_start3A_319, %dma_start3A_320] : memref<2x8x3584xf32, #tpu.memory_space<vmem>> -> memref<1x8x3584xf32, #tpu.memory_space<vmem>>
        %dma_start3A_322 = tpu.memref_squeeze %dma_start3A_321 : memref<1x8x3584xf32, #tpu.memory_space<vmem>> -> memref<8x3584xf32, #tpu.memory_space<vmem>>
        %dma_start3A_323 = arith.constant 0 : i32
        %dma_start3A_324 = tpu.memref_slice %dma_start3A_322[%dma_start3A_318, %dma_start3A_323] : memref<8x3584xf32, #tpu.memory_space<vmem>> -> memref<1x3584xf32, #tpu.memory_space<vmem>>
        %dma_start3A_325 = tpu.memref_squeeze %dma_start3A_324 : memref<1x3584xf32, #tpu.memory_space<vmem>> -> memref<3584xf32, #tpu.memory_space<vmem>>
        %dma_start3A_326 = tpu.memref_slice %arg9[%add3A_317] : memref<917504xf32, #tpu.memory_space<vmem_shared>> -> memref<3584xf32, #tpu.memory_space<vmem_shared>>
        %dma_start3A_327 = tpu.memref_slice %arg10[%rem3A_134] : memref<2x!tpu.dma_semaphore, #tpu.memory_space<semaphore_mem>> -> memref<1x!tpu.dma_semaphore, #tpu.memory_space<semaphore_mem>>
        %dma_start3A_328 = tpu.memref_squeeze %dma_start3A_327 : memref<1x!tpu.dma_semaphore, #tpu.memory_space<semaphore_mem>> -> memref<!tpu.dma_semaphore, #tpu.memory_space<semaphore_mem>>
        %dma_start3A_329 = arith.constant 0 : i32
        %dma_start3A_330 = arith.constant 0 : i32
        %dma_start3A_331 = tpu.memref_slice %arg8[%rem3A_134, %dma_start3A_329, %dma_start3A_330] : memref<2x8x3584xf32, #tpu.memory_space<vmem>> -> memref<1x8x3584xf32, #tpu.memory_space<vmem>>
        %dma_start3A_332 = tpu.memref_squeeze %dma_start3A_331 : memref<1x8x3584xf32, #tpu.memory_space<vmem>> -> memref<8x3584xf32, #tpu.memory_space<vmem>>
        %dma_start3A_333 = arith.constant 0 : i32
        %dma_start3A_334 = tpu.memref_slice %dma_start3A_332[%dma_start3A_318, %dma_start3A_333] : memref<8x3584xf32, #tpu.memory_space<vmem>> -> memref<1x3584xf32, #tpu.memory_space<vmem>>
        %dma_start3A_335 = tpu.memref_squeeze %dma_start3A_334 : memref<1x3584xf32, #tpu.memory_space<vmem>> -> memref<3584xf32, #tpu.memory_space<vmem>>
        %dma_start3A_336 = tpu.memref_slice %arg9[%add3A_317] : memref<917504xf32, #tpu.memory_space<vmem_shared>> -> memref<3584xf32, #tpu.memory_space<vmem_shared>>
        tpu.enqueue_dma source(%dma_start3A_336 : memref<3584xf32, #tpu.memory_space<vmem_shared>>) target(%dma_start3A_335 : memref<3584xf32, #tpu.memory_space<vmem>>) target_semaphore(%dma_start3A_328 : memref<!tpu.dma_semaphore, #tpu.memory_space<semaphore_mem>>)
        %slice3A_337 = vector.extract_strided_slice %get3A_156 {offsets = [7], sizes = [1], strides = [1]} : vector<16xi32> to vector<1xi32>
        %squeeze3A_338 = vector.extract %slice3A_337[0] : i32 from vector<1xi32>
        %mul3A_339 = arith.constant 7168 : i32
        %mul3A_340 = arith.muli %squeeze3A_338, %mul3A_339 : i32
        %mul3A_341 = arith.constant 3584 : i32
        %mul3A_342 = arith.muli %rem3A_138, %mul3A_341 : i32
        %add3A_343 = arith.addi %mul3A_340, %mul3A_342 : i32
        %dma_start3A_344 = arith.constant 7 : i32
        %dma_start3A_345 = arith.constant 0 : i32
        %dma_start3A_346 = arith.constant 0 : i32
        %dma_start3A_347 = tpu.memref_slice %arg8[%rem3A_134, %dma_start3A_345, %dma_start3A_346] : memref<2x8x3584xf32, #tpu.memory_space<vmem>> -> memref<1x8x3584xf32, #tpu.memory_space<vmem>>
        %dma_start3A_348 = tpu.memref_squeeze %dma_start3A_347 : memref<1x8x3584xf32, #tpu.memory_space<vmem>> -> memref<8x3584xf32, #tpu.memory_space<vmem>>
        %dma_start3A_349 = arith.constant 0 : i32
        %dma_start3A_350 = tpu.memref_slice %dma_start3A_348[%dma_start3A_344, %dma_start3A_349] : memref<8x3584xf32, #tpu.memory_space<vmem>> -> memref<1x3584xf32, #tpu.memory_space<vmem>>
        %dma_start3A_351 = tpu.memref_squeeze %dma_start3A_350 : memref<1x3584xf32, #tpu.memory_space<vmem>> -> memref<3584xf32, #tpu.memory_space<vmem>>
        %dma_start3A_352 = tpu.memref_slice %arg9[%add3A_343] : memref<917504xf32, #tpu.memory_space<vmem_shared>> -> memref<3584xf32, #tpu.memory_space<vmem_shared>>
        %dma_start3A_353 = tpu.memref_slice %arg10[%rem3A_134] : memref<2x!tpu.dma_semaphore, #tpu.memory_space<semaphore_mem>> -> memref<1x!tpu.dma_semaphore, #tpu.memory_space<semaphore_mem>>
        %dma_start3A_354 = tpu.memref_squeeze %dma_start3A_353 : memref<1x!tpu.dma_semaphore, #tpu.memory_space<semaphore_mem>> -> memref<!tpu.dma_semaphore, #tpu.memory_space<semaphore_mem>>
        %dma_start3A_355 = arith.constant 0 : i32
        %dma_start3A_356 = arith.constant 0 : i32
        %dma_start3A_357 = tpu.memref_slice %arg8[%rem3A_134, %dma_start3A_355, %dma_start3A_356] : memref<2x8x3584xf32, #tpu.memory_space<vmem>> -> memref<1x8x3584xf32, #tpu.memory_space<vmem>>
        %dma_start3A_358 = tpu.memref_squeeze %dma_start3A_357 : memref<1x8x3584xf32, #tpu.memory_space<vmem>> -> memref<8x3584xf32, #tpu.memory_space<vmem>>
        %dma_start3A_359 = arith.constant 0 : i32
        %dma_start3A_360 = tpu.memref_slice %dma_start3A_358[%dma_start3A_344, %dma_start3A_359] : memref<8x3584xf32, #tpu.memory_space<vmem>> -> memref<1x3584xf32, #tpu.memory_space<vmem>>
        %dma_start3A_361 = tpu.memref_squeeze %dma_start3A_360 : memref<1x3584xf32, #tpu.memory_space<vmem>> -> memref<3584xf32, #tpu.memory_space<vmem>>
        %dma_start3A_362 = tpu.memref_slice %arg9[%add3A_343] : memref<917504xf32, #tpu.memory_space<vmem_shared>> -> memref<3584xf32, #tpu.memory_space<vmem_shared>>
        tpu.enqueue_dma source(%dma_start3A_362 : memref<3584xf32, #tpu.memory_space<vmem_shared>>) target(%dma_start3A_361 : memref<3584xf32, #tpu.memory_space<vmem>>) target_semaphore(%dma_start3A_354 : memref<!tpu.dma_semaphore, #tpu.memory_space<semaphore_mem>>)
      } else {
      }
      %gt3A = arith.constant 0 : i32
      %gt3A_149 = arith.cmpi sgt, %scan3A_133, %gt3A : i32
      %convert_element_type3A_150 = arith.extui %gt3A_149 : i1 to i32
      %cond3A_151 = arith.constant 0 : i32
      %cond3A_152 = arith.cmpi ne, %convert_element_type3A_150, %cond3A_151 : i32
      scf.if %cond3A_152 {
        %sub3A = arith.constant 1 : i32
        %sub3A_153 = arith.subi %scan3A_133, %sub3A : i32
        %rem3A_154 = arith.constant 2 : i32
        %rem3A_155 = arith.remsi %sub3A_153, %rem3A_154 : i32
        %div3A_156 = arith.constant 2 : i32
        %div3A_157 = arith.divsi %sub3A_153, %div3A_156 : i32
        %rem3A_158 = arith.constant 2 : i32
        %rem3A_159 = arith.remsi %sub3A_153, %rem3A_158 : i32
        %dma_wait3A_160 = arith.constant 0 : i32
        %dma_wait3A_161 = arith.constant 0 : i32
        %dma_wait3A_162 = tpu.memref_slice %arg8[%rem3A_155, %dma_wait3A_160, %dma_wait3A_161] : memref<2x8x3584xf32, #tpu.memory_space<vmem>> -> memref<1x8x3584xf32, #tpu.memory_space<vmem>>
        %dma_wait3A_163 = tpu.memref_squeeze %dma_wait3A_162 : memref<1x8x3584xf32, #tpu.memory_space<vmem>> -> memref<8x3584xf32, #tpu.memory_space<vmem>>
        %dma_wait3A_164 = arith.constant 0 : i32
        %dma_wait3A_165 = arith.constant 0 : i32
        %dma_wait3A_166 = tpu.memref_slice %arg5[%dma_wait3A_164, %dma_wait3A_165] : memref<4096x14336xf32, #tpu.memory_space<hbm>> -> memref<8x3584xf32, #tpu.memory_space<hbm>>
        %dma_wait3A_167 = tpu.memref_slice %arg10[%rem3A_155] : memref<2x!tpu.dma_semaphore, #tpu.memory_space<semaphore_mem>> -> memref<1x!tpu.dma_semaphore, #tpu.memory_space<semaphore_mem>>
        %dma_wait3A_168 = tpu.memref_squeeze %dma_wait3A_167 : memref<1x!tpu.dma_semaphore, #tpu.memory_space<semaphore_mem>> -> memref<!tpu.dma_semaphore, #tpu.memory_space<semaphore_mem>>
        %dma_wait3A_169 = arith.constant 0 : i32
        %dma_wait3A_170 = arith.constant 0 : i32
        %dma_wait3A_171 = tpu.memref_slice %arg8[%rem3A_155, %dma_wait3A_169, %dma_wait3A_170] : memref<2x8x3584xf32, #tpu.memory_space<vmem>> -> memref<1x8x3584xf32, #tpu.memory_space<vmem>>
        %dma_wait3A_172 = tpu.memref_squeeze %dma_wait3A_171 : memref<1x8x3584xf32, #tpu.memory_space<vmem>> -> memref<8x3584xf32, #tpu.memory_space<vmem>>
        %dma_wait3A_173 = arith.constant 0 : i32
        %dma_wait3A_174 = arith.constant 0 : i32
        %dma_wait3A_175 = tpu.memref_slice %arg5[%dma_wait3A_173, %dma_wait3A_174] : memref<4096x14336xf32, #tpu.memory_space<hbm>> -> memref<8x3584xf32, #tpu.memory_space<hbm>>
        tpu.wait_dma2 semaphore(%dma_wait3A_168 : memref<!tpu.dma_semaphore, #tpu.memory_space<semaphore_mem>>) src(%dma_wait3A_175 : memref<8x3584xf32, #tpu.memory_space<hbm>>) dst(%dma_wait3A_172 : memref<8x3584xf32, #tpu.memory_space<vmem>>)
        %mul3A_176 = arith.constant 8 : i32
        %mul3A_177 = arith.muli %div3A_157, %mul3A_176 : i32
        %add3A_178 = arith.addi %mul3A_2, %mul3A_177 : i32
        %mul3A_179 = arith.constant 3584 : i32
        %mul3A_180 = arith.muli %rem3A_159, %mul3A_179 : i32
        %add3A_181 = arith.addi %mul3A_0, %mul3A_180 : i32
        "tpu.region"() ({
          %run_scoped3A = tpu.sem_alloc : memref<!tpu.dma_semaphore, #tpu.memory_space<semaphore_mem>>
          %dma_start3A_182 = arith.constant 0 : i32
          %dma_start3A_183 = arith.constant 0 : i32
          %dma_start3A_184 = tpu.memref_slice %arg8[%rem3A_155, %dma_start3A_182, %dma_start3A_183] : memref<2x8x3584xf32, #tpu.memory_space<vmem>> -> memref<1x8x3584xf32, #tpu.memory_space<vmem>>
          %dma_start3A_185 = tpu.memref_squeeze %dma_start3A_184 : memref<1x8x3584xf32, #tpu.memory_space<vmem>> -> memref<8x3584xf32, #tpu.memory_space<vmem>>
          %dma_start3A_186 = tpu.memref_slice %arg5[%add3A_178, %add3A_181] : memref<4096x14336xf32, #tpu.memory_space<hbm>> -> memref<8x3584xf32, #tpu.memory_space<hbm>>
          %dma_start3A_187 = tpu.memref_slice %arg5[%add3A_178, %add3A_181] : memref<4096x14336xf32, #tpu.memory_space<hbm>> -> memref<8x3584xf32, #tpu.memory_space<hbm>>
          %dma_start3A_188 = arith.constant 0 : i32
          %dma_start3A_189 = arith.constant 0 : i32
          %dma_start3A_190 = tpu.memref_slice %arg8[%rem3A_155, %dma_start3A_188, %dma_start3A_189] : memref<2x8x3584xf32, #tpu.memory_space<vmem>> -> memref<1x8x3584xf32, #tpu.memory_space<vmem>>
          %dma_start3A_191 = tpu.memref_squeeze %dma_start3A_190 : memref<1x8x3584xf32, #tpu.memory_space<vmem>> -> memref<8x3584xf32, #tpu.memory_space<vmem>>
          tpu.enqueue_dma source(%dma_start3A_191 : memref<8x3584xf32, #tpu.memory_space<vmem>>) target(%dma_start3A_187 : memref<8x3584xf32, #tpu.memory_space<hbm>>) target_semaphore(%run_scoped3A : memref<!tpu.dma_semaphore, #tpu.memory_space<semaphore_mem>>)
          %dma_wait3A_192 = arith.constant 0 : i32
          %dma_wait3A_193 = arith.constant 0 : i32
          %dma_wait3A_194 = tpu.memref_slice %arg8[%rem3A_155, %dma_wait3A_192, %dma_wait3A_193] : memref<2x8x3584xf32, #tpu.memory_space<vmem>> -> memref<1x8x3584xf32, #tpu.memory_space<vmem>>
          %dma_wait3A_195 = tpu.memref_squeeze %dma_wait3A_194 : memref<1x8x3584xf32, #tpu.memory_space<vmem>> -> memref<8x3584xf32, #tpu.memory_space<vmem>>
          %dma_wait3A_196 = tpu.memref_slice %arg5[%add3A_178, %add3A_181] : memref<4096x14336xf32, #tpu.memory_space<hbm>> -> memref<8x3584xf32, #tpu.memory_space<hbm>>
          %dma_wait3A_197 = tpu.memref_slice %arg5[%add3A_178, %add3A_181] : memref<4096x14336xf32, #tpu.memory_space<hbm>> -> memref<8x3584xf32, #tpu.memory_space<hbm>>
          %dma_wait3A_198 = arith.constant 0 : i32
          %dma_wait3A_199 = arith.constant 0 : i32
          %dma_wait3A_200 = tpu.memref_slice %arg8[%rem3A_155, %dma_wait3A_198, %dma_wait3A_199] : memref<2x8x3584xf32, #tpu.memory_space<vmem>> -> memref<1x8x3584xf32, #tpu.memory_space<vmem>>
          %dma_wait3A_201 = tpu.memref_squeeze %dma_wait3A_200 : memref<1x8x3584xf32, #tpu.memory_space<vmem>> -> memref<8x3584xf32, #tpu.memory_space<vmem>>
          tpu.wait_dma2 semaphore(%run_scoped3A : memref<!tpu.dma_semaphore, #tpu.memory_space<semaphore_mem>>) src(%dma_wait3A_201 : memref<8x3584xf32, #tpu.memory_space<vmem>>) dst(%dma_wait3A_197 : memref<8x3584xf32, #tpu.memory_space<hbm>>)
          tpu.yield
        }) : () -> ()
      } else {
      }
    }
    %scan3A_132 = arith.constant 65 : i32
    return
  }
}

</mosaic_0001>

<sc_bundles>
// kernel: kernel.3.cloned.1.call-start
scs
__scs_entry_jumppad:
0x0: {  	(pc) =	sbr.rel $0x88, $3  }
0x1: {  	(tag) =	ssettag $0x0;
	lr =	simm.s32 $0x1  }
0x2: {  	[smem:$0x3F9F] =	sst lr;
	_ =	strace $0xD0000000  }
0x3: {  	_ = 	snop  }
0x4: {  	_ = 	snop  }
0x5: {  	_ = 	snop  }
0x6: {  	_ = 	snop  }
0x7: {  	_ = 	snop  }
__scs_overlays_trampoline_lowered:
0x8: {  	[smem:$0x3FAE] =	sst s0  }
0x9: {  	[smem:$0x3FAF] =	sst s1  }
0xa: {  	[smem:$0x3FB0] =	sst s2  }
0xb: {  	[smem:$0x3FB1] =	sst s3  }
0xc: {  	[smem:$0x3FB2] =	sst s4  }
0xd: {  	[smem:$0x3FB3] =	sst s5  }
0xe: {  	[smem:$0x3FB4] =	sst s6  }
0xf: {  	[smem:$0x3FB5] =	sst s7  }
0x10: {  	[smem:$0x3FB6] =	sst s8  }
0x11: {  	[smem:$0x3FB7] =	sst s9;
	s0 =	simm.s32 @!p0 $0x0  }
0x12: {  	s1 =	sld [smem:$0x3F9D];
	s0 =	simm.s32 @p0 $0x1  }
0x13: {  	[smem:$0x3FB8] =	sst s0;
	s0 =	simm.s32 @!p1 $0x0  }
0x14: {  	s2 =	sld [smem:$0x3F9C];
	s0 =	simm.s32 @p1 $0x1  }
0x15: {  	[smem:$0x3FB9] =	sst s0;
	s0 =	simm.s32 @!p2 $0x0  }
0x16: {  	s3 =	sld [smem:$0x3FDB];
	s0 =	simm.s32 @p2 $0x1  }
0x17: {  	s4 =	simm.s32 $0x1BF5;
	[smem:$0x3FBB] =	sst s0  }
0x18: {  	s0 =	sld [smem:$0x3F9E];
	_ =	swait.ge [sflag:s4], $0x0  }
0x19: {  	s7 =	sld [smem:$0x3F9F]  }
0x1a: {  	s8 =	sadd.s32 $0xFFFFE003, lr  }
0x1b: {  	s9 =	sadd.s32 $0xFFFFFEF7, lr;
	s5 =	simm.s32 $0xFFFFFFFF;
	p2 =	slt.u32 s8, $0xFFFFF086  }
0x1c: {  	p1 =	slt.u32 s9, $0xF7A;
	s5 =	simm.s32 @!p2 $0x0  }
0x1d: {  	s5 =	simm.s32 @p1 $0x1;
	p0 =	seq.s32 s7, s2  }
0x1e: {  	s7 =	smul.u32 @!p0 $0xF7A, s2;
	p2 =	seq.s32 @!p0 s5, $0x0  }
0x1f: {  	s9 =	smul.u32 $0xF7A, s1;
	s8 =	simm.s32 @!p0 $0x1BF5;
	p2 =	por !p2, p0  }
0x20: {  	[sflag:s8] =	ssyncset.s32 @!p0 $0xFFFFF086;
	s6 =	sadd.s32 @!p0 s3, s7;
	s7 =	simm.s32 @!p0 $0x108  }
0x21: {  	s3 =	sadd.s32 s3, s9;
	s6 =	sadd.s32 @!p0 $0x88, s6;
	s7 =	simm.s32 @p2 $0x1082  }
0x22: {  	[simem:s7], [sflag:s8] =	dma.local @!p0 [hbm:s6], $0xF7A  }
0x23: {  	s9 =	sor.u32 $0xD0000000, s2;
	s6 =	simm.s32 $0x108;
	_ =	swait.ge @!p0 [sflag:s8], $0x0  }
0x24: {  	s3 =	sadd.s32 $0x88, s3;
	s6 =	simm.s32 @!p1 $0x1082;
	[sflag:s4] =	ssyncset.s32 $0xFFFFF086  }
0x25: {  	[simem:s6], [sflag:s4] =	dma.local [hbm:s3], $0xF7A  }
0x26: {  	[smem:$0x3F9F] =	sst s1;
	(tag) =	ssettag s2;
	_ =	strace s9  }
0x27: {  	s1 =	sld [smem:$0x3FAF]  }
0x28: {  	s2 =	sld [smem:$0x3FB0]  }
0x29: {  	s4 =	sld [smem:$0x3FB2]  }
0x2a: {  	p0 =	seq.s32 s5, $0x0;
	s5 =	sld [smem:$0x3FB3]  }
0x2b: {  	s6 =	sld [smem:$0x3FB4]  }
0x2c: {  	s7 =	sld [smem:$0x3FB5]  }
0x2d: {  	s3 =	simm.s32 $0x108;
	s8 =	sld [smem:$0x3FB6]  }
0x2e: {  	s3 =	simm.s32 @!p0 $0x1082;
	s9 =	sld [smem:$0x3FB7]  }
0x2f: {  	lr =	sadd.s32 s0, s3;
	s0 =	sld [smem:$0x3FAE]  }
0x30: {  	s3 =	sld [smem:$0x3FB1]  }
0x31: {  	[smem:$0x3FBA] =	sst s10  }
0x32: {  	s10 =	sld [smem:$0x3FB8];
	_ =	sdelay $0x3  }
0x33: {  	p0 =	seq.s32 s10, $0x1;
	s10 =	sld [smem:$0x3FBA];
	_ =	sdelay $0x3  }
0x34: {  	[smem:$0x3FBA] =	sst s10  }
0x35: {  	s10 =	sld [smem:$0x3FB9];
	_ =	sdelay $0x3  }
0x36: {  	p1 =	seq.s32 s10, $0x1;
	s10 =	sld [smem:$0x3FBA];
	_ =	sdelay $0x3  }
0x37: {  	[smem:$0x3FBA] =	sst s10  }
0x38: {  	s10 =	sld [smem:$0x3FBB]  }
0x39: {  	_ = 	snop;
	(pc) =	sbr.ind lr, $3  }
0x3a: {  	_ = 	snop  }
0x3b: {  	_ = 	snop  }
0x3c: {  	p2 =	seq.s32 s10, $0x1;
	s10 =	sld [smem:$0x3FBA]  }
0x3d: {  	_ =	shalt  }
0x3e: {  	_ =	shalt  }
0x3f: {  	_ =	shalt  }
0x40: {  	_ =	shalt  }
0x41: {  	_ =	shalt  }
0x42: {  	_ =	shalt  }
0x43: {  	_ =	shalt  }
0x44: {  	_ =	shalt  }
0x45: {  	_ =	shalt  }
0x46: {  	_ =	shalt  }
0x47: {  	_ =	shalt  }
0x48: {  	_ =	shalt  }
0x49: {  	_ =	shalt  }
0x4a: {  	_ =	shalt  }
0x4b: {  	_ =	shalt  }
0x4c: {  	_ =	shalt  }
0x4d: {  	_ =	shalt  }
0x4e: {  	_ =	shalt  }
0x4f: {  	_ =	shalt  }
0x50: {  	_ =	shalt  }
0x51: {  	_ =	shalt  }
0x52: {  	_ =	shalt  }
0x53: {  	_ =	shalt  }
0x54: {  	_ =	shalt  }
0x55: {  	_ =	shalt  }
0x56: {  	_ =	shalt  }
0x57: {  	_ =	shalt  }
0x58: {  	_ =	shalt  }
0x59: {  	_ =	shalt  }
0x5a: {  	_ =	shalt  }
0x5b: {  	_ =	shalt  }
0x5c: {  	_ =	shalt  }
0x5d: {  	_ =	shalt  }
0x5e: {  	_ =	shalt  }
0x5f: {  	_ =	shalt  }
0x60: {  	_ =	shalt  }
0x61: {  	_ =	shalt  }
0x62: {  	_ =	shalt  }
0x63: {  	_ =	shalt  }
0x64: {  	_ =	shalt  }
0x65: {  	_ =	shalt  }
0x66: {  	_ =	shalt  }
0x67: {  	_ =	shalt  }
0x68: {  	_ =	shalt  }
0x69: {  	_ =	shalt  }
0x6a: {  	_ =	shalt  }
0x6b: {  	_ =	shalt  }
0x6c: {  	_ =	shalt  }
0x6d: {  	_ =	shalt  }
0x6e: {  	_ =	shalt  }
0x6f: {  	_ =	shalt  }
0x70: {  	_ =	shalt  }
0x71: {  	_ =	shalt  }
0x72: {  	_ =	shalt  }
0x73: {  	_ =	shalt  }
0x74: {  	_ =	shalt  }
0x75: {  	_ =	shalt  }
0x76: {  	_ =	shalt  }
0x77: {  	_ =	shalt  }
0x78: {  	_ =	shalt  }
0x79: {  	_ =	shalt  }
0x7a: {  	_ =	shalt  }
0x7b: {  	_ =	shalt  }
0x7c: {  	_ =	shalt  }
0x7d: {  	_ =	shalt  }
0x7e: {  	_ =	shalt  }
0x7f: {  	_ =	shalt  }
0x80: {  	_ =	shalt  }
0x81: {  	_ =	shalt  }
0x82: {  	_ =	shalt  }
0x83: {  	_ =	shalt  }
0x84: {  	_ =	shalt  }
0x85: {  	_ =	shalt  }
0x86: {  	_ =	shalt  }
0x87: {  	_ =	shalt  }
.Lfunc_end0:
.L_simem_size_0:
called_computation_lowered:
.L_overlay_start_0:
0x88: {  	s2 =	sld [smem:$0x3FD9]  }
0x89: {  	s3 =	sld [smem:$0x3FFE];
	_ =	sdelay $0x1  }
0x8a: {  	s1 =	srdreg.scid  }
0x8b: {  	s0 =	sand.u32 $0x1, s1  }
0x8c: {  	s17 =	sshll.u32 s0, $0xA;
	s2 =	sadd.s32 s3, s2  }
0x8d: {  	s2 =	sadd.s32 s2, s17  }
0x8e: {  	[smem:$0x3FC6] =	sst s2  }
0x8f: {  	_ = 	snop  }
0x90: {  	s2 =	sld [smem:$0x3FC9]  }
0x91: {  	s18 =	sld [smem:$0x3FD0];
	(tm) =	ssettm $0x1  }
0x92: {  	s4 =	sld [smem:$0x3FFB];
	_ =	sdelay $0x3  }
0x93: {  	_ =	strace s4  }
0x94: {  	s4 =	sld [smem:$0x3FFC];
	_ =	sdelay $0x3  }
0x95: {  	_ =	strace s4  }
0x96: {  	s4 =	sld [smem:$0x3FFD];
	_ =	sdelay $0x3  }
0x97: {  	_ =	strace s4  }
0x98: {  	_ =	strace $0x8FFFFFFF  }
0x99: {  	s19 =	sld [smem:$0x3FDB];
	_ =	sdelay $0x1  }
0x9a: {  	s5 =	simm.s32 $_scs_section_size  }
0x9b: {  	s6 =	simm.s32 $_size__tile_overlayer_lowered;
	s7 =	simm.s32 $_tile_overlayer_lowered  }
0x9c: {  	s22 =	simm.s32 $0x1BFF;
	s21 =	sshll.u32 s7, $0x1;
	s4 =	sadd.s32 s5, s19  }
0x9d: {  	s8 =	simm.s32 $0x0;
	s20 =	sshll.u32 s6, $0x1;
	s6 =	sadd.s32 s21, s4  }
0x9e: {  	[timem:s8], [sflag:s22] =	dma.local [hbm:s6], s20  }
0x9f: {  	_ =	swait.ge [sflag:s22], s20  }
0xa0: {  	s5 =	ssub.s32 $0x0, s20;
	[sflag:s22] =	ssyncset.done $0x0  }
0xa1: {  	[sflag:s22] =	ssyncadd.s32 s5;
	_ =	sdelay $0x1  }
0xa2: {  	s23 =	simm.s32 $0x1B8B  }
0xa3: {  	_ =	swait.ge [sflag:s23], $0x1  }
0xa4: {  	[sflag:s23] =	ssyncset.done $0x0  }
0xa5: {  	s25 =	simm.s32 $0x1B8E;
	s24 =	sld [smem:$0x3FFE];
	[sflag:s23] =	ssyncadd.s32 $0xFFFFFFFF  }
0xa6: {  	s26 =	simm.s32 $execute0_lowered;
	[smem:$0x3FD2] =	sst s25  }
0xa7: {  	s6 =	sshll.u32 s26, $0x1;
	_ =	strace $0x80000046;
	[dreg:$0x1] =	wrdreg $0xFFFFFFFF  }
0xa8: {  	s28 =	simm.s32 $_size_execute0_lowered;
	s4 =	sadd.s32 s4, s6;
	[dreg:$0x0] =	wrdreg $0x0  }
0xa9: {  	s6 =	sshll.u32 s28, $0x1;
	[dreg:$0x2] =	wrdreg s4  }
0xaa: {  	[dreg:$0x3] =	wrdreg s6  }
0xab: {  	[dreg:$0x4] =	wrdreg $0xC0  }
0xac: {  	_ =	task [dreg:s8], $0x5FFFF  }
0xad: {  	[dreg:$0x1] =	wrdreg $0xFFFFFFFF  }
0xae: {  	[dreg:$0x0] =	wrdreg $0x60  }
0xaf: {  	[dreg:$0x2] =	wrdreg s2  }
0xb0: {  	[dreg:$0x3] =	wrdreg s24  }
0xb1: {  	[dreg:$0x4] =	wrdreg s18  }
0xb2: {  	[dreg:$0x5] =	wrdreg $0xE3800  }
0xb3: {  	[dreg:$0x6] =	wrdreg $0x9  }
0xb4: {  	_ =	task.clear_ibuf [dreg:s8], $0x7FFFF;
	_ =	strace $0x90000046  }
0xb5: {  	s29 =	simm.s32 $0x9;
	_ =	strace $0x80000048  }
0xb6: {  	_ =	swait.ge [sflag:s29], $0x1  }
0xb7: {  	[sflag:s29] =	ssyncadd.s32 $0xFFFFFFFF  }
0xb8: {  	_ =	strace $0x90000048  }
0xb9: {  	_ =	sfence  }
0xba: {  	s30 =	sld [smem:$0x0];
	_ =	sdelay $0x2  }
0xbb: {  	s31 =	sshll.u32 s1, $0xD;
	s1 =	sshrl.u32 s1, $0x2  }
0xbc: {  	s3 =	sand.u32 $0x4000, s31;
	s1 =	sadd.s32 s1, s30  }
0xbd: {  	s0 =	sor.u32 s3, s0;
	s1 =	sshll.u32 s1, $0x11  }
0xbe: {  	s0 =	sor.u32 s1, s0  }
0xbf: {  	s0 =	sadd.s32 $0x8F2B, s0  }
0xc0: {  	[sflag:s0] =	ssyncadd.remote.s32 $0x1  }
0xc1: {  	_ =	sfence.sel $0xFFFF  }
0xc2: {  	[dreg:$0x0] =	wrdreg $0xFFFFFFFF;
	(pc) =	sbr.abs _section_cstart, $3  }
0xc3: {  	[dreg:$0x1] =	wrdreg $0xFFFFFFFF  }
0xc4: {  	_ =	task.clear_ibuf [dreg:s8], $0x2FFFF;
	_ =	strace $0x9FFFFFFF  }
0xc5: {  	(tm) =	ssettm $0x7FFFFFFF  }
tec
execute0_lowered:
.L_overlay_start_1:
0x0: {  	(tag) =	ssettag $0x1  }
0x1: {  	s1 =	rddreg [dreg:$0x0]  }
0x2: {  	s0 =	rddreg [dreg:$0x1]  }
0x3: {  	s5 =	rddreg [dreg:$0x2]  }
0x4: {  	s3 =	srdreg.scid;
	s21 =	stileid.u32  }
0x5: {  	s2 =	rddreg [dreg:$0x3];
	s8 =	smul.u32 $0x1C000, s21  }
0x6: {  	s4 =	sand.u32 $0x1, s3;
	s7 =	sshll.u32 s21, $0x3;
	s14 =	smul.u32 $0x38000, s21  }
0x7: {  	s10 =	sadd.s32 $0x38600, s0;
	s6 =	smul.u32 $0x1C00, s4;
	s9 =	sor.u32 $0x1, s7  }
0x8: {  	s28 =	sadd.s32 $0x1100, s0;
	s13 =	sor.u32 $0x2, s7;
	s12 =	smul.u32 $0x3800, s9  }
0x9: {  	s29 =	sadd.s32 $0x1200, s0;
	s30 =	sadd.s32 $0x1300, s0;
	s16 =	smul.u32 $0x3800, s13  }
0xa: {  	s3 =	ssub.s32 $0x2, s4;
	s9 =	smul.u32 $0x7000, s9;
	s8 =	sor.u32 s6, s8  }
0xb: {  	s8 =	sshrl.u32 s8, $0x3;
	s15 =	sadd.s32 s6, s12;
	s18 =	sadd.s32 s6, s16  }
0xc: {  	s16 =	sor.u32 $0x4, s7;
	s8 =	sadd.s32 s10, s8;
	s17 =	sshrl.u32 s15, $0x3  }
0xd: {  	s15 =	sor.u32 $0x3, s7;
	s20 =	smul.u32 $0x3800, s16;
	[dreg:$0x5] =	wrdreg s8  }
0xe: {  	s8 =	sadd.s32 s10, s17;
	s19 =	smul.u32 $0x3800, s15;
	s17 =	sor.u32 $0x5, s7  }
0xf: {  	s11 =	sshrl.u32 s3, $0x1;
	s7 =	sor.u32 $0x6, s7;
	s22 =	smul.u32 $0x3800, s17  }
0x10: {  	[dreg:$0x6] =	wrdreg s8;
	s8 =	sshrl.u32 s18, $0x3;
	s18 =	smul.u32 $0x3800, s7  }
0x11: {  	s14 =	sshrl.u32 s14, $0x2;
	s3 =	ssub.s32 s3, s11;
	s7 =	smul.u32 $0x7000, s7  }
0x12: {  	s8 =	sadd.s32 s10, s8;
	s11 =	sadd.s32 s6, s19;
	s19 =	sshllo.u32 s21, $0x3  }
0x13: {  	[dreg:$0x7] =	wrdreg s8;
	s8 =	sor.u32 s6, s20;
	s20 =	smul.u32 $0x3800, s19  }
0x14: {  	s11 =	sshrl.u32 s11, $0x3;
	s24 =	sadd.s32 s6, s18;
	s18 =	smul.u32 $0x7000, s13  }
0x15: {  	s23 =	sadd.s32 s6, s22;
	s22 =	smul.u32 $0x7000, s15;
	s7 =	sshrl.u32 s7, $0x2  }
0x16: {  	s8 =	sshrl.u32 s8, $0x3;
	s11 =	sadd.s32 s10, s11;
	s26 =	sshrl.u32 s24, $0x3  }
0x17: {  	s24 =	smul.u32 $0x7000, s16;
	s7 =	sadd.s32 s7, s2;
	s16 =	sadd.s32 $0x600, s0  }
0x18: {  	[dreg:$0x8] =	wrdreg s11;
	s8 =	sadd.s32 s10, s8;
	s25 =	sadd.s32 s6, s20  }
0x19: {  	s11 =	simm.s32 $0x0;
	s20 =	sshll.u32 s21, $0x6;
	s7 =	sshrl.u32 s7, $0x3  }
0x1a: {  	[dreg:$0x9] =	wrdreg s8;
	s8 =	sshrl.u32 s23, $0x3;
	s31 =	sshrl.u32 s25, $0x3  }
0x1b: {  	[smem:$0x7FF] =	sst s11;
	s13 =	sor.u32 $0x1C01, s20;
	s23 =	sshrl.u32 s9, $0x2  }
0x1c: {  	s25 =	smul.u32 $0x7000, s17;
	s9 =	sshrl.u32 s24, $0x2;
	s17 =	sadd.s32 $0x700, s0  }
0x1d: {  	s20 =	sadd.s32 $0xA00, s0;
	s24 =	sadd.s32 $0xE00, s0;
	s8 =	sadd.s32 s10, s8  }
0x1e: {  	s12 =	sadd.s32 s10, s31;
	s9 =	sadd.s32 s9, s2;
	[dreg:$0xa] =	wrdreg s8  }
0x1f: {  	s8 =	sadd.s32 s10, s26;
	[dreg:$0xc] =	wrdreg s12;
	s12 =	sadd.s32 s5, s6  }
0x20: {  	s5 =	sadd.s32 s23, s2;
	s10 =	sshrl.u32 s18, $0x2;
	s6 =	sshrl.u32 s22, $0x2  }
0x21: {  	s26 =	smul.u32 $0x7000, s19;
	s18 =	sadd.s32 $0x800, s0;
	s19 =	sadd.s32 $0x900, s0  }
0x22: {  	s22 =	sadd.s32 $0xC00, s0;
	s23 =	sadd.s32 $0xD00, s0;
	[dreg:$0xb] =	wrdreg s8  }
0x23: {  	s8 =	sadd.s32 s14, s2;
	s10 =	sadd.s32 s10, s2;
	s14 =	sshrl.u32 s25, $0x2  }
0x24: {  	s6 =	sadd.s32 s6, s2;
	s25 =	sadd.s32 $0xF00, s0;
	_ =	strace $0x80000047  }
0x25: {  	s31 =	sadd.s32 s14, s2;
	s15 =	sshrl.u32 s26, $0x2;
	s14 =	sshll.u32 s21, $0x5  }
0x26: {  	s21 =	sadd.s32 $0xB00, s0;
	s26 =	sadd.s32 $0x1000, s0;
	s1 =	sadd.s32 s1, s14  }
0x27: {  	[dreg:$0xd] =	wrdreg s1;
	s1 =	sshll.u32 s4, $0x1;
	s4 =	smax.u32 s3, $0x1  }
0x28: {  	s15 =	sadd.s32 s15, s2;
	s3 =	sshrl.u32 s8, $0x3;
	[dreg:$0xe] =	wrdreg s4  }
.Ltmp0:
0x29: {  	s8 =	sshrl.u32 s6, $0x3;
	[dreg:$0xf] =	wrdreg s3;
	(pc) =	sbr.rel .LBB2_1-.Ltmp0, $4  }
0x2a: {  	s6 =	sshrl.u32 s31, $0x3;
	s4 =	sshrl.u32 s5, $0x3;
	[dreg:$0x12] =	wrdreg s8  }
0x2b: {  	v2 =	vlaneseq.u32;
	s5 =	sshrl.u32 s10, $0x3;
	s10 =	sshrl.u32 s9, $0x3;
	[dreg:$0x10] =	wrdreg s4  }
0x2c: {  	vm0 =	vmmov $0xffff;
	v3 =	vshrl.u32 v2, $0x3;
	v0 =	vmov s1;
	s8 =	sshrl.u32 s15, $0x3;
	s9 =	simm.s32 $0x3;
	[dreg:$0x11] =	wrdreg s5  }
0x2d: {  	v2 =	vand.u32 $0x7, v2;
	v3 =	vmul.u32 $0x8, v3;
	s15 =	simm.s32 $0x0;
	[dreg:$0x13] =	wrdreg s10;
	v1 =	vor.u32 $0x1, v0;
	s10 =	simm.s32 $0x1  }
.LBB2_11:
0x2e: {  	s15 =	sadd.s32 $0x1, s15;
	s0 =	rddreg [dreg:$0xe]  }
0x2f: {  	p0 =	sne.s32 s15, s0  }
.Ltmp1:
0x30: {  	_ = 	snop;
	(pc) =	sbr.rel @!p0 .LBB2_12-.Ltmp1, $1  }
0x31: {  	_ =	sdelay $0x3  }
.LBB2_1:
0x32: {  	s0 =	rddreg [dreg:$0x5]  }
0x33: {  	s1 =	rddreg [dreg:$0xf]  }
0x34: {  	[spmem:s1], [sflag:s13] =	dma.local [hbm:s0], $0x380  }
0x35: {  	s0 =	rddreg [dreg:$0x6]  }
0x36: {  	s1 =	rddreg [dreg:$0x10]  }
0x37: {  	[spmem:s1], [sflag:s13] =	dma.local [hbm:s0], $0x380  }
0x38: {  	s0 =	rddreg [dreg:$0x7]  }
0x39: {  	s1 =	rddreg [dreg:$0x11]  }
0x3a: {  	[spmem:s1], [sflag:s13] =	dma.local [hbm:s0], $0x380  }
0x3b: {  	s0 =	rddreg [dreg:$0x8]  }
0x3c: {  	s1 =	rddreg [dreg:$0x12]  }
0x3d: {  	[spmem:s1], [sflag:s13] =	dma.local [hbm:s0], $0x380  }
0x3e: {  	s0 =	rddreg [dreg:$0x9]  }
0x3f: {  	s1 =	rddreg [dreg:$0x13]  }
0x40: {  	[spmem:s1], [sflag:s13] =	dma.local [hbm:s0], $0x380  }
0x41: {  	s0 =	rddreg [dreg:$0xa]  }
0x42: {  	[spmem:s6], [sflag:s13] =	dma.local [hbm:s0], $0x380  }
0x43: {  	s0 =	rddreg [dreg:$0xb]  }
0x44: {  	[spmem:s7], [sflag:s13] =	dma.local [hbm:s0], $0x380  }
0x45: {  	s0 =	rddreg [dreg:$0xc]  }
0x46: {  	[spmem:s8], [sflag:s13] =	dma.local [hbm:s0], $0x380  }
0x47: {  	s0 =	rddreg [dreg:$0xd]  }
0x48: {  	[tilespmem:s11], [sflag:$0x3] =	stream.linear.gather [hbm4b:s0+s11], $0x100, $0x38;
	[tilespmem:$0x1C380] =	vst v63  }
0x49: {  	_ =	swait.ge [sflag:s9], $0x100  }
0x4a: {  	[sflag:s9] =	ssyncset.done $0x0  }
0x4b: {  	[sflag:s9] =	ssyncadd.s32 $0xFFFFFF00  }
0x4c: {  	_ =	swait.ge [sflag:s10], $0x1C00  }
0x4d: {  	[sflag:s10] =	ssyncset.done $0x0  }
0x4e: {  	[sflag:s10] =	ssyncadd.s32 $0xFFFFE400  }
0x4f: {  	v4 =	vld [tilespmem:s11+$0x0];
	_ =	sdelay $0x4  }
0x50: {  	v4 =	vshll.u32 v4, $0x2  }
0x51: {  	s0 =	simm.s32 $0x180;
	v5 =	vor.u32 v0, v4  }
0x52: {  	s3 =	sand.u32 $0xF0, s11;
	v4 =	vor.u32 v1, v4;
	[tilespmem:s0+$0x0] =	vst v5  }
0x53: {  	s1 =	simm.s32 $0x10;
	[tilespmem:s3+$0x280] =	vst v4  }
0x54: {  	v4 =	vld [tilespmem:s1+$0x0]  }
0x55: {  	s31 =	simm.s32 $0x10;
	s3 =	simm.s32 $0x20  }
.LBB2_2:
0x56: {  	p0 =	sne.s32 s3, $0xF0;
	_ =	sdelay $0x2  }
0x57: {  	v4 =	vshll.u32 v4, $0x2  }
.Ltmp2:
0x58: {  	s0 =	sadd.s32 $0x10, s0;
	v5 =	vor.u32 v0, v4;
	v4 =	vor.u32 v1, v4;
	(pc) =	sbr.rel @p0 .LBB2_2-.Ltmp2, $4  }
0x59: {  	s4 =	sand.u32 $0xF0, s1;
	s1 =	smov.u32 s3;
	[tilespmem:s0+$0x0] =	vst v5  }
0x5a: {  	s31 =	sadd.s32 $0x10, s31;
	[tilespmem:s4+$0x280] =	vst v4  }
0x5b: {  	v4 =	vld [tilespmem:s31+$0x0]  }
0x5c: {  	s3 =	sadd.s32 $0x10, s3  }
0x5d: {  	_ =	sdelay $0x2  }
0x5e: {  	v4 =	vshll.u32 v4, $0x2  }
.Ltmp3:
0x5f: {  	s0 =	sadd.s32 $0x10, s0;
	v5 =	vor.u32 v0, v4;
	(pc) =	sbr.rel .LBB2_4-.Ltmp3, $4  }
0x60: {  	s5 =	sand.u32 $0xF0, s1;
	v4 =	vor.u32 v1, v4;
	[tilespmem:s0+$0x0] =	vst v5  }
0x61: {  	[tilespmem:s5+$0x280] =	vst v4  }
0x62: {  	[bflag:$0x0] =	sbarrier.arrive $0xFFFF  }
0x63: {  	s31 =	simm.s32 $0x0  }
.LBB2_9:
0x64: {  	s0 =	sadd.s32 $0xFFFFFFFF, s31  }
0x65: {  	s1 =	sand.u32 $0x1, s0  }
0x66: {  	s0 =	sshrl.u32 s0, $0x1;
	s3 =	smul.u32 $0xE00, s1  }
0x67: {  	s4 =	sadd.s32 $0x1, s1;
	s0 =	sadd.s32 s14, s0;
	s1 =	smul.u32 $0x1C000, s1  }
0x68: {  	_ =	swait.ge [sflag:s4], $0x7000;
	s0 =	smul.u32 $0x3800, s0  }
0x69: {  	[sflag:s4] =	ssyncset.done $0x0;
	s1 =	sshrl.u32 s1, $0x2;
	s3 =	sadd.s32 s3, s12  }
0x6a: {  	[sflag:s4] =	ssyncadd.s32 $0xFFFF9000;
	s1 =	sor.u32 $0x380, s1;
	s0 =	sadd.s32 s0, s3  }
0x6b: {  	[hbm4b:s0+s11] =	stream.linear.scatter [tilespmem:s1], [sflag:$0x3], $0x7000, $0x38;
	[tilespmem:$0x1C380] =	vst v63  }
0x6c: {  	_ =	swait.ge [sflag:s9], $0x7000  }
0x6d: {  	[sflag:s9] =	ssyncset.done $0x0  }
0x6e: {  	[sflag:s9] =	ssyncadd.s32 $0xFFFF9000  }
.LBB2_10:
0x6f: {  	s31 =	sadd.s32 $0x1, s31  }
0x70: {  	p0 =	sne.s32 s31, $0x41  }
.Ltmp4:
0x71: {  	_ = 	snop;
	(pc) =	sbr.rel @!p0 .LBB2_11-.Ltmp4, $1  }
0x72: {  	_ =	sdelay $0x3  }
.LBB2_4:
0x73: {  	s1 =	smin.u32 s31, $0x3F  }
0x74: {  	s0 =	smul.u32 $0xFFFFFFAB, s1;
	_ =	sdelay $0x1  }
0x75: {  	s0 =	sadd.s32 $0xFFFFFFAA, s0  }
0x76: {  	s0 =	sand.u32 $0xFF, s0  }
0x77: {  	p0 =	sgt.u32 s0, $0x54  }
.Ltmp5:
0x78: {  	_ = 	snop;
	(pc) =	sbr.rel @p0 .LBB2_6-.Ltmp5, $2  }
0x79: {  	_ =	sdelay $0x2  }
0x7a: {  	s3 =	sshrl.u32 s1, $0x1;
	s1 =	sand.u32 $0x1, s1;
	s0 =	sand.u32 $0x1, s31  }
0x7b: {  	s1 =	sshll.u32 s1, $0x8;
	s3 =	sshll.u32 s3, $0x3  }
0x7c: {  	s1 =	sor.u32 s3, s1  }
0x7d: {  	v4 =	vld.msk [tilespmem:s1+$0x180], $0xff;
	_ =	sdelay $0x4  }
0x7e: {  	v5 =	vshrl.u32 v4, $0x3  }
0x7f: {  	v5 =	vmul.u32 $0xE0, v5  }
0x80: {  	v4 =	vand.u32 $0x7, v4  }
0x81: {  	v4 =	vor.u32 v4, v5  }
0x82: {  	v4 =	vperm.xlane v4, v2;
	_ =	sdelay $0x1  }
0x83: {  	v4 =	vadd.s32 v3, v4  }
0x84: {  	s4 =	smul.u32 $0x1C000, s0;
	_ =	sdelay $0x1  }
0x85: {  	s1 =	sshrl.u32 s4, $0x2  }
0x86: {  	s0 =	sadd.s32 $0x1, s0;
	s5 =	sor.u32 $0x380, s1  }
0x87: {  	[tilespmem:s5], [sflag:s0] =	stream.indirect_vreg.gather [hbm4b:s16+s11], $0x80, v4, vm0, $0xb8;
	[tilespmem:$0x1C380] =	vst v63  }
0x88: {  	s4 =	sor.u32 $0xB80, s1  }
0x89: {  	[tilespmem:s4], [sflag:s0] =	stream.indirect_vreg.gather [hbm4b:s17+s11], $0x80, v4, vm0, $0xb8;
	[tilespmem:$0x1C380] =	vst v63  }
0x8a: {  	s5 =	sadd.s32 $0x1380, s1  }
0x8b: {  	[tilespmem:s5], [sflag:s0] =	stream.indirect_vreg.gather [hbm4b:s18+s11], $0x80, v4, vm0, $0xb8;
	[tilespmem:$0x1C380] =	vst v63  }
0x8c: {  	s4 =	sadd.s32 $0x1B80, s1  }
0x8d: {  	[tilespmem:s4], [sflag:s0] =	stream.indirect_vreg.gather [hbm4b:s19+s11], $0x80, v4, vm0, $0xb8;
	[tilespmem:$0x1C380] =	vst v63  }
0x8e: {  	s5 =	sadd.s32 $0x2380, s1  }
0x8f: {  	[tilespmem:s5], [sflag:s0] =	stream.indirect_vreg.gather [hbm4b:s20+s11], $0x80, v4, vm0, $0xb8;
	[tilespmem:$0x1C380] =	vst v63  }
0x90: {  	s4 =	sadd.s32 $0x2B80, s1  }
0x91: {  	[tilespmem:s4], [sflag:s0] =	stream.indirect_vreg.gather [hbm4b:s21+s11], $0x80, v4, vm0, $0xb8;
	[tilespmem:$0x1C380] =	vst v63  }
0x92: {  	s5 =	sadd.s32 $0x3380, s1  }
0x93: {  	[tilespmem:s5], [sflag:s0] =	stream.indirect_vreg.gather [hbm4b:s22+s11], $0x80, v4, vm0, $0xb8;
	[tilespmem:$0x1C380] =	vst v63  }
0x94: {  	s4 =	sadd.s32 $0x3B80, s1  }
0x95: {  	[tilespmem:s4], [sflag:s0] =	stream.indirect_vreg.gather [hbm4b:s23+s11], $0x80, v4, vm0, $0xb8;
	[tilespmem:$0x1C380] =	vst v63  }
0x96: {  	s5 =	sadd.s32 $0x4380, s1  }
0x97: {  	[tilespmem:s5], [sflag:s0] =	stream.indirect_vreg.gather [hbm4b:s24+s11], $0x80, v4, vm0, $0xb8;
	[tilespmem:$0x1C380] =	vst v63  }
0x98: {  	s4 =	sadd.s32 $0x4B80, s1  }
0x99: {  	[tilespmem:s4], [sflag:s0] =	stream.indirect_vreg.gather [hbm4b:s25+s11], $0x80, v4, vm0, $0xb8;
	[tilespmem:$0x1C380] =	vst v63  }
0x9a: {  	s5 =	sadd.s32 $0x5380, s1  }
0x9b: {  	[tilespmem:s5], [sflag:s0] =	stream.indirect_vreg.gather [hbm4b:s26+s11], $0x80, v4, vm0, $0xb8;
	[tilespmem:$0x1C380] =	vst v63  }
0x9c: {  	s4 =	sadd.s32 $0x5B80, s1  }
0x9d: {  	[tilespmem:s4], [sflag:s0] =	stream.indirect_vreg.gather [hbm4b:s28+s11], $0x80, v4, vm0, $0xb8;
	[tilespmem:$0x1C380] =	vst v63  }
.Ltmp6:
0x9e: {  	_ = 	snop;
	(pc) =	sbr.rel .LBB2_8-.Ltmp6, $4  }
0x9f: {  	s5 =	sadd.s32 $0x6380, s1  }
0xa0: {  	[tilespmem:s5], [sflag:s0] =	stream.indirect_vreg.gather [hbm4b:s29+s11], $0x80, v4, vm0, $0xb8;
	[tilespmem:$0x1C380] =	vst v63  }
0xa1: {  	s1 =	sadd.s32 $0x6B80, s1  }
0xa2: {  	[tilespmem:s1], [sflag:s0] =	stream.indirect_vreg.gather [hbm4b:s30+s11], $0x80, v4, vm0, $0xb8;
	[tilespmem:$0x1C380] =	vst v63  }
.LBB2_6:
0xa3: {  	p0 =	seq.s32 s31, $0x40  }
.Ltmp7:
0xa4: {  	_ = 	snop;
	(pc) =	sbr.rel @p0 .LBB2_9-.Ltmp7, $1  }
0xa5: {  	_ =	sdelay $0x3  }
0xa6: {  	s3 =	sshll.u32 s3, $0x3  }
0xa7: {  	v4 =	vld [tilespmem:s3+$0x0];
	_ =	sdelay $0x4  }
0xa8: {  	v4 =	vmul.u32 $0x7000, v4;
	_ =	sdelay $0x1  }
0xa9: {  	s1 =	smul.u32 $0xE00, s1;
	v4 =	vshra.s32 v4, $0x2  }
0xaa: {  	v4 =	vadd.s32 s2, v4  }
0xab: {  	v4 =	vadd.s32 s1, v4  }
0xac: {  	(v2sf) =	vpush v4, $0x0;
	_ =	sdelay $0xb  }
0xad: {  	s4 =	smul.u32 $0x1C000, s0;
	_ =	sdelay $0x1  }
0xae: {  	s1 =	sshrl.u32 s4, $0x2  }
0xaf: {  	s0 =	sadd.s32 $0x1, s0;
	s4 =	sor.u32 $0x380, s1;
	s3 =	spop (v2sf)  }
0xb0: {  	[tilespmem:s4], [sflag:s0] =	stream.linear.gather [spmem:s3], $0x80, $0x38;
	[tilespmem:$0x1C380] =	vst v63  }
0xb1: {  	s5 =	sor.u32 $0x780, s1;
	s4 =	sadd.s32 $0x80, s3  }
0xb2: {  	[tilespmem:s5], [sflag:s0] =	stream.linear.gather [spmem:s4], $0x80, $0x38;
	[tilespmem:$0x1C380] =	vst v63  }
0xb3: {  	s4 =	sadd.s32 $0x100, s3;
	s5 =	sor.u32 $0xB80, s1  }
0xb4: {  	[tilespmem:s5], [sflag:s0] =	stream.linear.gather [spmem:s4], $0x80, $0x38;
	[tilespmem:$0x1C380] =	vst v63  }
0xb5: {  	s4 =	sadd.s32 $0x180, s3;
	s5 =	sor.u32 $0xF80, s1  }
0xb6: {  	[tilespmem:s5], [sflag:s0] =	stream.linear.gather [spmem:s4], $0x80, $0x38;
	[tilespmem:$0x1C380] =	vst v63  }
0xb7: {  	s4 =	sadd.s32 $0x200, s3;
	s5 =	sadd.s32 $0x1380, s1  }
0xb8: {  	[tilespmem:s5], [sflag:s0] =	stream.linear.gather [spmem:s4], $0x80, $0x38;
	[tilespmem:$0x1C380] =	vst v63  }
0xb9: {  	s4 =	sadd.s32 $0x280, s3;
	s5 =	sadd.s32 $0x1780, s1  }
0xba: {  	[tilespmem:s5], [sflag:s0] =	stream.linear.gather [spmem:s4], $0x80, $0x38;
	[tilespmem:$0x1C380] =	vst v63  }
0xbb: {  	s4 =	sadd.s32 $0x300, s3;
	s5 =	sadd.s32 $0x1B80, s1  }
0xbc: {  	[tilespmem:s5], [sflag:s0] =	stream.linear.gather [spmem:s4], $0x80, $0x38;
	[tilespmem:$0x1C380] =	vst v63  }
0xbd: {  	s4 =	sadd.s32 $0x380, s3;
	s5 =	sadd.s32 $0x1F80, s1  }
0xbe: {  	[tilespmem:s5], [sflag:s0] =	stream.linear.gather [spmem:s4], $0x80, $0x38;
	[tilespmem:$0x1C380] =	vst v63  }
0xbf: {  	s4 =	sadd.s32 $0x400, s3;
	s5 =	sadd.s32 $0x2380, s1  }
0xc0: {  	[tilespmem:s5], [sflag:s0] =	stream.linear.gather [spmem:s4], $0x80, $0x38;
	[tilespmem:$0x1C380] =	vst v63  }
0xc1: {  	s4 =	sadd.s32 $0x480, s3;
	s5 =	sadd.s32 $0x2780, s1  }
0xc2: {  	[tilespmem:s5], [sflag:s0] =	stream.linear.gather [spmem:s4], $0x80, $0x38;
	[tilespmem:$0x1C380] =	vst v63  }
0xc3: {  	s4 =	sadd.s32 $0x500, s3;
	s5 =	sadd.s32 $0x2B80, s1  }
0xc4: {  	[tilespmem:s5], [sflag:s0] =	stream.linear.gather [spmem:s4], $0x80, $0x38;
	[tilespmem:$0x1C380] =	vst v63  }
0xc5: {  	s4 =	sadd.s32 $0x580, s3;
	s5 =	sadd.s32 $0x2F80, s1  }
0xc6: {  	[tilespmem:s5], [sflag:s0] =	stream.linear.gather [spmem:s4], $0x80, $0x38;
	[tilespmem:$0x1C380] =	vst v63  }
0xc7: {  	s4 =	sadd.s32 $0x600, s3;
	s5 =	sadd.s32 $0x3380, s1  }
0xc8: {  	[tilespmem:s5], [sflag:s0] =	stream.linear.gather [spmem:s4], $0x80, $0x38;
	[tilespmem:$0x1C380] =	vst v63  }
0xc9: {  	s4 =	sadd.s32 $0x680, s3;
	s5 =	sadd.s32 $0x3780, s1  }
0xca: {  	[tilespmem:s5], [sflag:s0] =	stream.linear.gather [spmem:s4], $0x80, $0x38;
	[tilespmem:$0x1C380] =	vst v63  }
0xcb: {  	s4 =	sadd.s32 $0x700, s3;
	s5 =	sadd.s32 $0x3B80, s1  }
0xcc: {  	[tilespmem:s5], [sflag:s0] =	stream.linear.gather [spmem:s4], $0x80, $0x38;
	[tilespmem:$0x1C380] =	vst v63  }
0xcd: {  	s4 =	sadd.s32 $0x780, s3;
	s5 =	sadd.s32 $0x3F80, s1  }
0xce: {  	[tilespmem:s5], [sflag:s0] =	stream.linear.gather [spmem:s4], $0x80, $0x38;
	[tilespmem:$0x1C380] =	vst v63  }
0xcf: {  	s4 =	sadd.s32 $0x800, s3;
	s5 =	sadd.s32 $0x4380, s1  }
0xd0: {  	[tilespmem:s5], [sflag:s0] =	stream.linear.gather [spmem:s4], $0x80, $0x38;
	[tilespmem:$0x1C380] =	vst v63  }
0xd1: {  	s4 =	sadd.s32 $0x880, s3;
	s5 =	sadd.s32 $0x4780, s1  }
0xd2: {  	[tilespmem:s5], [sflag:s0] =	stream.linear.gather [spmem:s4], $0x80, $0x38;
	[tilespmem:$0x1C380] =	vst v63  }
0xd3: {  	s4 =	sadd.s32 $0x900, s3;
	s5 =	sadd.s32 $0x4B80, s1  }
0xd4: {  	[tilespmem:s5], [sflag:s0] =	stream.linear.gather [spmem:s4], $0x80, $0x38;
	[tilespmem:$0x1C380] =	vst v63  }
0xd5: {  	s4 =	sadd.s32 $0x980, s3;
	s5 =	sadd.s32 $0x4F80, s1  }
0xd6: {  	[tilespmem:s5], [sflag:s0] =	stream.linear.gather [spmem:s4], $0x80, $0x38;
	[tilespmem:$0x1C380] =	vst v63  }
0xd7: {  	s4 =	sadd.s32 $0xA00, s3;
	s5 =	sadd.s32 $0x5380, s1  }
0xd8: {  	(v2sf) =	vpush v4, $0x1;
	[tilespmem:s5], [sflag:s0] =	stream.linear.gather [spmem:s4], $0x80, $0x38;
	[tilespmem:$0x1C380] =	vst v63  }
0xd9: {  	s4 =	sadd.s32 $0xA80, s3;
	s5 =	sadd.s32 $0x5780, s1  }
0xda: {  	[tilespmem:s5], [sflag:s0] =	stream.linear.gather [spmem:s4], $0x80, $0x38;
	[tilespmem:$0x1C380] =	vst v63  }
0xdb: {  	s4 =	sadd.s32 $0xB00, s3;
	s5 =	sadd.s32 $0x5B80, s1  }
0xdc: {  	[tilespmem:s5], [sflag:s0] =	stream.linear.gather [spmem:s4], $0x80, $0x38;
	[tilespmem:$0x1C380] =	vst v63  }
0xdd: {  	s4 =	sadd.s32 $0xB80, s3;
	s5 =	sadd.s32 $0x5F80, s1  }
0xde: {  	[tilespmem:s5], [sflag:s0] =	stream.linear.gather [spmem:s4], $0x80, $0x38;
	[tilespmem:$0x1C380] =	vst v63  }
0xdf: {  	s4 =	sadd.s32 $0xC00, s3;
	s5 =	sadd.s32 $0x6380, s1  }
0xe0: {  	[tilespmem:s5], [sflag:s0] =	stream.linear.gather [spmem:s4], $0x80, $0x38;
	[tilespmem:$0x1C380] =	vst v63  }
0xe1: {  	s4 =	sadd.s32 $0xC80, s3;
	s5 =	sadd.s32 $0x6780, s1  }
0xe2: {  	[tilespmem:s5], [sflag:s0] =	stream.linear.gather [spmem:s4], $0x80, $0x38;
	[tilespmem:$0x1C380] =	vst v63  }
0xe3: {  	s4 =	sadd.s32 $0xD00, s3;
	s5 =	sadd.s32 $0x6B80, s1  }
0xe4: {  	[tilespmem:s5], [sflag:s0] =	stream.linear.gather [spmem:s4], $0x80, $0x38;
	[tilespmem:$0x1C380] =	vst v63  }
0xe5: {  	s3 =	sadd.s32 $0xD80, s3;
	s5 =	sadd.s32 $0x6F80, s1  }
0xe6: {  	[tilespmem:s5], [sflag:s0] =	stream.linear.gather [spmem:s3], $0x80, $0x38;
	[tilespmem:$0x1C380] =	vst v63  }
0xe7: {  	s5 =	sor.u32 $0x400, s1;
	s3 =	spop (v2sf)  }
0xe8: {  	[tilespmem:s5], [sflag:s0] =	stream.linear.gather [spmem:s3], $0x80, $0x38;
	[tilespmem:$0x1C380] =	vst v63  }
0xe9: {  	s4 =	sadd.s32 $0x80, s3;
	s5 =	sor.u32 $0x800, s1  }
0xea: {  	[tilespmem:s5], [sflag:s0] =	stream.linear.gather [spmem:s4], $0x80, $0x38;
	[tilespmem:$0x1C380] =	vst v63  }
0xeb: {  	s4 =	sadd.s32 $0x100, s3;
	s5 =	sor.u32 $0xC00, s1  }
0xec: {  	[tilespmem:s5], [sflag:s0] =	stream.linear.gather [spmem:s4], $0x80, $0x38;
	[tilespmem:$0x1C380] =	vst v63  }
0xed: {  	s4 =	sadd.s32 $0x180, s3;
	s5 =	sadd.s32 $0x1000, s1  }
0xee: {  	[tilespmem:s5], [sflag:s0] =	stream.linear.gather [spmem:s4], $0x80, $0x38;
	[tilespmem:$0x1C380] =	vst v63  }
0xef: {  	s4 =	sadd.s32 $0x200, s3;
	s5 =	sadd.s32 $0x1400, s1  }
0xf0: {  	[tilespmem:s5], [sflag:s0] =	stream.linear.gather [spmem:s4], $0x80, $0x38;
	[tilespmem:$0x1C380] =	vst v63  }
0xf1: {  	s4 =	sadd.s32 $0x280, s3;
	s5 =	sadd.s32 $0x1800, s1  }
0xf2: {  	[tilespmem:s5], [sflag:s0] =	stream.linear.gather [spmem:s4], $0x80, $0x38;
	[tilespmem:$0x1C380] =	vst v63  }
0xf3: {  	s4 =	sadd.s32 $0x300, s3;
	s5 =	sadd.s32 $0x1C00, s1  }
0xf4: {  	[tilespmem:s5], [sflag:s0] =	stream.linear.gather [spmem:s4], $0x80, $0x38;
	[tilespmem:$0x1C380] =	vst v63  }
0xf5: {  	s4 =	sadd.s32 $0x380, s3;
	s5 =	sadd.s32 $0x2000, s1  }
0xf6: {  	[tilespmem:s5], [sflag:s0] =	stream.linear.gather [spmem:s4], $0x80, $0x38;
	[tilespmem:$0x1C380] =	vst v63  }
0xf7: {  	s4 =	sadd.s32 $0x400, s3;
	s5 =	sadd.s32 $0x2400, s1  }
0xf8: {  	[tilespmem:s5], [sflag:s0] =	stream.linear.gather [spmem:s4], $0x80, $0x38;
	[tilespmem:$0x1C380] =	vst v63  }
0xf9: {  	s4 =	sadd.s32 $0x480, s3;
	s5 =	sadd.s32 $0x2800, s1  }
0xfa: {  	[tilespmem:s5], [sflag:s0] =	stream.linear.gather [spmem:s4], $0x80, $0x38;
	[tilespmem:$0x1C380] =	vst v63  }
0xfb: {  	s4 =	sadd.s32 $0x500, s3;
	s5 =	sadd.s32 $0x2C00, s1  }
0xfc: {  	[tilespmem:s5], [sflag:s0] =	stream.linear.gather [spmem:s4], $0x80, $0x38;
	[tilespmem:$0x1C380] =	vst v63  }
0xfd: {  	s4 =	sadd.s32 $0x580, s3;
	s5 =	sadd.s32 $0x3000, s1  }
0xfe: {  	[tilespmem:s5], [sflag:s0] =	stream.linear.gather [spmem:s4], $0x80, $0x38;
	[tilespmem:$0x1C380] =	vst v63  }
0xff: {  	s4 =	sadd.s32 $0x600, s3;
	s5 =	sadd.s32 $0x3400, s1  }
0x100: {  	[tilespmem:s5], [sflag:s0] =	stream.linear.gather [spmem:s4], $0x80, $0x38;
	[tilespmem:$0x1C380] =	vst v63  }
0x101: {  	s4 =	sadd.s32 $0x680, s3;
	s5 =	sadd.s32 $0x3800, s1  }
0x102: {  	[tilespmem:s5], [sflag:s0] =	stream.linear.gather [spmem:s4], $0x80, $0x38;
	[tilespmem:$0x1C380] =	vst v63  }
0x103: {  	s4 =	sadd.s32 $0x700, s3;
	s5 =	sadd.s32 $0x3C00, s1  }
0x104: {  	[tilespmem:s5], [sflag:s0] =	stream.linear.gather [spmem:s4], $0x80, $0x38;
	[tilespmem:$0x1C380] =	vst v63  }
0x105: {  	s4 =	sadd.s32 $0x780, s3;
	s5 =	sadd.s32 $0x4000, s1  }
0x106: {  	[tilespmem:s5], [sflag:s0] =	stream.linear.gather [spmem:s4], $0x80, $0x38;
	[tilespmem:$0x1C380] =	vst v63  }
0x107: {  	s4 =	sadd.s32 $0x800, s3;
	s5 =	sadd.s32 $0x4400, s1  }
0x108: {  	[tilespmem:s5], [sflag:s0] =	stream.linear.gather [spmem:s4], $0x80, $0x38;
	[tilespmem:$0x1C380] =	vst v63  }
0x109: {  	s4 =	sadd.s32 $0x880, s3;
	s5 =	sadd.s32 $0x4800, s1  }
0x10a: {  	[tilespmem:s5], [sflag:s0] =	stream.linear.gather [spmem:s4], $0x80, $0x38;
	[tilespmem:$0x1C380] =	vst v63  }
0x10b: {  	s4 =	sadd.s32 $0x900, s3;
	s5 =	sadd.s32 $0x4C00, s1  }
0x10c: {  	[tilespmem:s5], [sflag:s0] =	stream.linear.gather [spmem:s4], $0x80, $0x38;
	[tilespmem:$0x1C380] =	vst v63  }
0x10d: {  	s4 =	sadd.s32 $0x980, s3;
	s5 =	sadd.s32 $0x5000, s1  }
0x10e: {  	[tilespmem:s5], [sflag:s0] =	stream.linear.gather [spmem:s4], $0x80, $0x38;
	[tilespmem:$0x1C380] =	vst v63  }
0x10f: {  	s4 =	sadd.s32 $0xA00, s3;
	s5 =	sadd.s32 $0x5400, s1  }
0x110: {  	(v2sf) =	vpush v4, $0x2;
	[tilespmem:s5], [sflag:s0] =	stream.linear.gather [spmem:s4], $0x80, $0x38;
	[tilespmem:$0x1C380] =	vst v63  }
0x111: {  	s4 =	sadd.s32 $0xA80, s3;
	s5 =	sadd.s32 $0x5800, s1  }
0x112: {  	[tilespmem:s5], [sflag:s0] =	stream.linear.gather [spmem:s4], $0x80, $0x38;
	[tilespmem:$0x1C380] =	vst v63  }
0x113: {  	s4 =	sadd.s32 $0xB00, s3;
	s5 =	sadd.s32 $0x5C00, s1  }
0x114: {  	[tilespmem:s5], [sflag:s0] =	stream.linear.gather [spmem:s4], $0x80, $0x38;
	[tilespmem:$0x1C380] =	vst v63  }
0x115: {  	s4 =	sadd.s32 $0xB80, s3;
	s5 =	sadd.s32 $0x6000, s1  }
0x116: {  	[tilespmem:s5], [sflag:s0] =	stream.linear.gather [spmem:s4], $0x80, $0x38;
	[tilespmem:$0x1C380] =	vst v63  }
0x117: {  	s4 =	sadd.s32 $0xC00, s3;
	s5 =	sadd.s32 $0x6400, s1  }
0x118: {  	[tilespmem:s5], [sflag:s0] =	stream.linear.gather [spmem:s4], $0x80, $0x38;
	[tilespmem:$0x1C380] =	vst v63  }
0x119: {  	s4 =	sadd.s32 $0xC80, s3;
	s5 =	sadd.s32 $0x6800, s1  }
0x11a: {  	[tilespmem:s5], [sflag:s0] =	stream.linear.gather [spmem:s4], $0x80, $0x38;
	[tilespmem:$0x1C380] =	vst v63  }
0x11b: {  	s4 =	sadd.s32 $0xD00, s3;
	s5 =	sadd.s32 $0x6C00, s1  }
0x11c: {  	[tilespmem:s5], [sflag:s0] =	stream.linear.gather [spmem:s4], $0x80, $0x38;
	[tilespmem:$0x1C380] =	vst v63  }
0x11d: {  	s3 =	sadd.s32 $0xD80, s3;
	s5 =	sadd.s32 $0x7000, s1  }
0x11e: {  	[tilespmem:s5], [sflag:s0] =	stream.linear.gather [spmem:s3], $0x80, $0x38;
	[tilespmem:$0x1C380] =	vst v63  }
0x11f: {  	s5 =	sor.u32 $0x480, s1;
	s3 =	spop (v2sf)  }
0x120: {  	[tilespmem:s5], [sflag:s0] =	stream.linear.gather [spmem:s3], $0x80, $0x38;
	[tilespmem:$0x1C380] =	vst v63  }
0x121: {  	s4 =	sadd.s32 $0x80, s3;
	s5 =	sor.u32 $0x880, s1  }
0x122: {  	[tilespmem:s5], [sflag:s0] =	stream.linear.gather [spmem:s4], $0x80, $0x38;
	[tilespmem:$0x1C380] =	vst v63  }
0x123: {  	s4 =	sadd.s32 $0x100, s3;
	s5 =	sor.u32 $0xC80, s1  }
0x124: {  	[tilespmem:s5], [sflag:s0] =	stream.linear.gather [spmem:s4], $0x80, $0x38;
	[tilespmem:$0x1C380] =	vst v63  }
0x125: {  	s4 =	sadd.s32 $0x180, s3;
	s5 =	sadd.s32 $0x1080, s1  }
0x126: {  	[tilespmem:s5], [sflag:s0] =	stream.linear.gather [spmem:s4], $0x80, $0x38;
	[tilespmem:$0x1C380] =	vst v63  }
0x127: {  	s4 =	sadd.s32 $0x200, s3;
	s5 =	sadd.s32 $0x1480, s1  }
0x128: {  	[tilespmem:s5], [sflag:s0] =	stream.linear.gather [spmem:s4], $0x80, $0x38;
	[tilespmem:$0x1C380] =	vst v63  }
0x129: {  	s4 =	sadd.s32 $0x280, s3;
	s5 =	sadd.s32 $0x1880, s1  }
0x12a: {  	[tilespmem:s5], [sflag:s0] =	stream.linear.gather [spmem:s4], $0x80, $0x38;
	[tilespmem:$0x1C380] =	vst v63  }
0x12b: {  	s4 =	sadd.s32 $0x300, s3;
	s5 =	sadd.s32 $0x1C80, s1  }
0x12c: {  	[tilespmem:s5], [sflag:s0] =	stream.linear.gather [spmem:s4], $0x80, $0x38;
	[tilespmem:$0x1C380] =	vst v63  }
0x12d: {  	s4 =	sadd.s32 $0x380, s3;
	s5 =	sadd.s32 $0x2080, s1  }
0x12e: {  	[tilespmem:s5], [sflag:s0] =	stream.linear.gather [spmem:s4], $0x80, $0x38;
	[tilespmem:$0x1C380] =	vst v63  }
0x12f: {  	s4 =	sadd.s32 $0x400, s3;
	s5 =	sadd.s32 $0x2480, s1  }
0x130: {  	[tilespmem:s5], [sflag:s0] =	stream.linear.gather [spmem:s4], $0x80, $0x38;
	[tilespmem:$0x1C380] =	vst v63  }
0x131: {  	s4 =	sadd.s32 $0x480, s3;
	s5 =	sadd.s32 $0x2880, s1  }
0x132: {  	[tilespmem:s5], [sflag:s0] =	stream.linear.gather [spmem:s4], $0x80, $0x38;
	[tilespmem:$0x1C380] =	vst v63  }
0x133: {  	s4 =	sadd.s32 $0x500, s3;
	s5 =	sadd.s32 $0x2C80, s1  }
0x134: {  	[tilespmem:s5], [sflag:s0] =	stream.linear.gather [spmem:s4], $0x80, $0x38;
	[tilespmem:$0x1C380] =	vst v63  }
0x135: {  	s4 =	sadd.s32 $0x580, s3;
	s5 =	sadd.s32 $0x3080, s1  }
0x136: {  	[tilespmem:s5], [sflag:s0] =	stream.linear.gather [spmem:s4], $0x80, $0x38;
	[tilespmem:$0x1C380] =	vst v63  }
0x137: {  	s4 =	sadd.s32 $0x600, s3;
	s5 =	sadd.s32 $0x3480, s1  }
0x138: {  	[tilespmem:s5], [sflag:s0] =	stream.linear.gather [spmem:s4], $0x80, $0x38;
	[tilespmem:$0x1C380] =	vst v63  }
0x139: {  	s4 =	sadd.s32 $0x680, s3;
	s5 =	sadd.s32 $0x3880, s1  }
0x13a: {  	[tilespmem:s5], [sflag:s0] =	stream.linear.gather [spmem:s4], $0x80, $0x38;
	[tilespmem:$0x1C380] =	vst v63  }
0x13b: {  	s4 =	sadd.s32 $0x700, s3;
	s5 =	sadd.s32 $0x3C80, s1  }
0x13c: {  	[tilespmem:s5], [sflag:s0] =	stream.linear.gather [spmem:s4], $0x80, $0x38;
	[tilespmem:$0x1C380] =	vst v63  }
0x13d: {  	s4 =	sadd.s32 $0x780, s3;
	s5 =	sadd.s32 $0x4080, s1  }
0x13e: {  	[tilespmem:s5], [sflag:s0] =	stream.linear.gather [spmem:s4], $0x80, $0x38;
	[tilespmem:$0x1C380] =	vst v63  }
0x13f: {  	s4 =	sadd.s32 $0x800, s3;
	s5 =	sadd.s32 $0x4480, s1  }
0x140: {  	[tilespmem:s5], [sflag:s0] =	stream.linear.gather [spmem:s4], $0x80, $0x38;
	[tilespmem:$0x1C380] =	vst v63  }
0x141: {  	s4 =	sadd.s32 $0x880, s3;
	s5 =	sadd.s32 $0x4880, s1  }
0x142: {  	[tilespmem:s5], [sflag:s0] =	stream.linear.gather [spmem:s4], $0x80, $0x38;
	[tilespmem:$0x1C380] =	vst v63  }
0x143: {  	s4 =	sadd.s32 $0x900, s3;
	s5 =	sadd.s32 $0x4C80, s1  }
0x144: {  	[tilespmem:s5], [sflag:s0] =	stream.linear.gather [spmem:s4], $0x80, $0x38;
	[tilespmem:$0x1C380] =	vst v63  }
0x145: {  	s4 =	sadd.s32 $0x980, s3;
	s5 =	sadd.s32 $0x5080, s1  }
0x146: {  	[tilespmem:s5], [sflag:s0] =	stream.linear.gather [spmem:s4], $0x80, $0x38;
	[tilespmem:$0x1C380] =	vst v63  }
0x147: {  	s4 =	sadd.s32 $0xA00, s3;
	s5 =	sadd.s32 $0x5480, s1  }
0x148: {  	(v2sf) =	vpush v4, $0x3;
	[tilespmem:s5], [sflag:s0] =	stream.linear.gather [spmem:s4], $0x80, $0x38;
	[tilespmem:$0x1C380] =	vst v63  }
0x149: {  	s4 =	sadd.s32 $0xA80, s3;
	s5 =	sadd.s32 $0x5880, s1  }
0x14a: {  	[tilespmem:s5], [sflag:s0] =	stream.linear.gather [spmem:s4], $0x80, $0x38;
	[tilespmem:$0x1C380] =	vst v63  }
0x14b: {  	s4 =	sadd.s32 $0xB00, s3;
	s5 =	sadd.s32 $0x5C80, s1  }
0x14c: {  	[tilespmem:s5], [sflag:s0] =	stream.linear.gather [spmem:s4], $0x80, $0x38;
	[tilespmem:$0x1C380] =	vst v63  }
0x14d: {  	s4 =	sadd.s32 $0xB80, s3;
	s5 =	sadd.s32 $0x6080, s1  }
0x14e: {  	[tilespmem:s5], [sflag:s0] =	stream.linear.gather [spmem:s4], $0x80, $0x38;
	[tilespmem:$0x1C380] =	vst v63  }
0x14f: {  	s4 =	sadd.s32 $0xC00, s3;
	s5 =	sadd.s32 $0x6480, s1  }
0x150: {  	[tilespmem:s5], [sflag:s0] =	stream.linear.gather [spmem:s4], $0x80, $0x38;
	[tilespmem:$0x1C380] =	vst v63  }
0x151: {  	s4 =	sadd.s32 $0xC80, s3;
	s5 =	sadd.s32 $0x6880, s1  }
0x152: {  	[tilespmem:s5], [sflag:s0] =	stream.linear.gather [spmem:s4], $0x80, $0x38;
	[tilespmem:$0x1C380] =	vst v63  }
0x153: {  	s4 =	sadd.s32 $0xD00, s3;
	s5 =	sadd.s32 $0x6C80, s1  }
0x154: {  	[tilespmem:s5], [sflag:s0] =	stream.linear.gather [spmem:s4], $0x80, $0x38;
	[tilespmem:$0x1C380] =	vst v63  }
0x155: {  	s3 =	sadd.s32 $0xD80, s3;
	s5 =	sadd.s32 $0x7080, s1  }
0x156: {  	[tilespmem:s5], [sflag:s0] =	stream.linear.gather [spmem:s3], $0x80, $0x38;
	[tilespmem:$0x1C380] =	vst v63  }
0x157: {  	s5 =	sor.u32 $0x500, s1;
	s3 =	spop (v2sf)  }
0x158: {  	[tilespmem:s5], [sflag:s0] =	stream.linear.gather [spmem:s3], $0x80, $0x38;
	[tilespmem:$0x1C380] =	vst v63  }
0x159: {  	s4 =	sadd.s32 $0x80, s3;
	s5 =	sor.u32 $0x900, s1  }
0x15a: {  	[tilespmem:s5], [sflag:s0] =	stream.linear.gather [spmem:s4], $0x80, $0x38;
	[tilespmem:$0x1C380] =	vst v63  }
0x15b: {  	s4 =	sadd.s32 $0x100, s3;
	s5 =	sor.u32 $0xD00, s1  }
0x15c: {  	[tilespmem:s5], [sflag:s0] =	stream.linear.gather [spmem:s4], $0x80, $0x38;
	[tilespmem:$0x1C380] =	vst v63  }
0x15d: {  	s4 =	sadd.s32 $0x180, s3;
	s5 =	sadd.s32 $0x1100, s1  }
0x15e: {  	[tilespmem:s5], [sflag:s0] =	stream.linear.gather [spmem:s4], $0x80, $0x38;
	[tilespmem:$0x1C380] =	vst v63  }
0x15f: {  	s4 =	sadd.s32 $0x200, s3;
	s5 =	sadd.s32 $0x1500, s1  }
0x160: {  	[tilespmem:s5], [sflag:s0] =	stream.linear.gather [spmem:s4], $0x80, $0x38;
	[tilespmem:$0x1C380] =	vst v63  }
0x161: {  	s4 =	sadd.s32 $0x280, s3;
	s5 =	sadd.s32 $0x1900, s1  }
0x162: {  	[tilespmem:s5], [sflag:s0] =	stream.linear.gather [spmem:s4], $0x80, $0x38;
	[tilespmem:$0x1C380] =	vst v63  }
0x163: {  	s4 =	sadd.s32 $0x300, s3;
	s5 =	sadd.s32 $0x1D00, s1  }
0x164: {  	[tilespmem:s5], [sflag:s0] =	stream.linear.gather [spmem:s4], $0x80, $0x38;
	[tilespmem:$0x1C380] =	vst v63  }
0x165: {  	s4 =	sadd.s32 $0x380, s3;
	s5 =	sadd.s32 $0x2100, s1  }
0x166: {  	[tilespmem:s5], [sflag:s0] =	stream.linear.gather [spmem:s4], $0x80, $0x38;
	[tilespmem:$0x1C380] =	vst v63  }
0x167: {  	s4 =	sadd.s32 $0x400, s3;
	s5 =	sadd.s32 $0x2500, s1  }
0x168: {  	[tilespmem:s5], [sflag:s0] =	stream.linear.gather [spmem:s4], $0x80, $0x38;
	[tilespmem:$0x1C380] =	vst v63  }
0x169: {  	s4 =	sadd.s32 $0x480, s3;
	s5 =	sadd.s32 $0x2900, s1  }
0x16a: {  	[tilespmem:s5], [sflag:s0] =	stream.linear.gather [spmem:s4], $0x80, $0x38;
	[tilespmem:$0x1C380] =	vst v63  }
0x16b: {  	s4 =	sadd.s32 $0x500, s3;
	s5 =	sadd.s32 $0x2D00, s1  }
0x16c: {  	[tilespmem:s5], [sflag:s0] =	stream.linear.gather [spmem:s4], $0x80, $0x38;
	[tilespmem:$0x1C380] =	vst v63  }
0x16d: {  	s4 =	sadd.s32 $0x580, s3;
	s5 =	sadd.s32 $0x3100, s1  }
0x16e: {  	[tilespmem:s5], [sflag:s0] =	stream.linear.gather [spmem:s4], $0x80, $0x38;
	[tilespmem:$0x1C380] =	vst v63  }
0x16f: {  	s4 =	sadd.s32 $0x600, s3;
	s5 =	sadd.s32 $0x3500, s1  }
0x170: {  	[tilespmem:s5], [sflag:s0] =	stream.linear.gather [spmem:s4], $0x80, $0x38;
	[tilespmem:$0x1C380] =	vst v63  }
0x171: {  	s4 =	sadd.s32 $0x680, s3;
	s5 =	sadd.s32 $0x3900, s1  }
0x172: {  	[tilespmem:s5], [sflag:s0] =	stream.linear.gather [spmem:s4], $0x80, $0x38;
	[tilespmem:$0x1C380] =	vst v63  }
0x173: {  	s4 =	sadd.s32 $0x700, s3;
	s5 =	sadd.s32 $0x3D00, s1  }
0x174: {  	[tilespmem:s5], [sflag:s0] =	stream.linear.gather [spmem:s4], $0x80, $0x38;
	[tilespmem:$0x1C380] =	vst v63  }
0x175: {  	s4 =	sadd.s32 $0x780, s3;
	s5 =	sadd.s32 $0x4100, s1  }
0x176: {  	[tilespmem:s5], [sflag:s0] =	stream.linear.gather [spmem:s4], $0x80, $0x38;
	[tilespmem:$0x1C380] =	vst v63  }
0x177: {  	s4 =	sadd.s32 $0x800, s3;
	s5 =	sadd.s32 $0x4500, s1  }
0x178: {  	[tilespmem:s5], [sflag:s0] =	stream.linear.gather [spmem:s4], $0x80, $0x38;
	[tilespmem:$0x1C380] =	vst v63  }
0x179: {  	s4 =	sadd.s32 $0x880, s3;
	s5 =	sadd.s32 $0x4900, s1  }
0x17a: {  	[tilespmem:s5], [sflag:s0] =	stream.linear.gather [spmem:s4], $0x80, $0x38;
	[tilespmem:$0x1C380] =	vst v63  }
0x17b: {  	s4 =	sadd.s32 $0x900, s3;
	s5 =	sadd.s32 $0x4D00, s1  }
0x17c: {  	[tilespmem:s5], [sflag:s0] =	stream.linear.gather [spmem:s4], $0x80, $0x38;
	[tilespmem:$0x1C380] =	vst v63  }
0x17d: {  	s4 =	sadd.s32 $0x980, s3;
	s5 =	sadd.s32 $0x5100, s1  }
0x17e: {  	[tilespmem:s5], [sflag:s0] =	stream.linear.gather [spmem:s4], $0x80, $0x38;
	[tilespmem:$0x1C380] =	vst v63  }
0x17f: {  	s4 =	sadd.s32 $0xA00, s3;
	s5 =	sadd.s32 $0x5500, s1  }
0x180: {  	(v2sf) =	vpush v4, $0x4;
	[tilespmem:s5], [sflag:s0] =	stream.linear.gather [spmem:s4], $0x80, $0x38;
	[tilespmem:$0x1C380] =	vst v63  }
0x181: {  	s4 =	sadd.s32 $0xA80, s3;
	s5 =	sadd.s32 $0x5900, s1  }
0x182: {  	[tilespmem:s5], [sflag:s0] =	stream.linear.gather [spmem:s4], $0x80, $0x38;
	[tilespmem:$0x1C380] =	vst v63  }
0x183: {  	s4 =	sadd.s32 $0xB00, s3;
	s5 =	sadd.s32 $0x5D00, s1  }
0x184: {  	[tilespmem:s5], [sflag:s0] =	stream.linear.gather [spmem:s4], $0x80, $0x38;
	[tilespmem:$0x1C380] =	vst v63  }
0x185: {  	s4 =	sadd.s32 $0xB80, s3;
	s5 =	sadd.s32 $0x6100, s1  }
0x186: {  	[tilespmem:s5], [sflag:s0] =	stream.linear.gather [spmem:s4], $0x80, $0x38;
	[tilespmem:$0x1C380] =	vst v63  }
0x187: {  	s4 =	sadd.s32 $0xC00, s3;
	s5 =	sadd.s32 $0x6500, s1  }
0x188: {  	[tilespmem:s5], [sflag:s0] =	stream.linear.gather [spmem:s4], $0x80, $0x38;
	[tilespmem:$0x1C380] =	vst v63  }
0x189: {  	s4 =	sadd.s32 $0xC80, s3;
	s5 =	sadd.s32 $0x6900, s1  }
0x18a: {  	[tilespmem:s5], [sflag:s0] =	stream.linear.gather [spmem:s4], $0x80, $0x38;
	[tilespmem:$0x1C380] =	vst v63  }
0x18b: {  	s4 =	sadd.s32 $0xD00, s3;
	s5 =	sadd.s32 $0x6D00, s1  }
0x18c: {  	[tilespmem:s5], [sflag:s0] =	stream.linear.gather [spmem:s4], $0x80, $0x38;
	[tilespmem:$0x1C380] =	vst v63  }
0x18d: {  	s3 =	sadd.s32 $0xD80, s3;
	s5 =	sadd.s32 $0x7100, s1  }
0x18e: {  	[tilespmem:s5], [sflag:s0] =	stream.linear.gather [spmem:s3], $0x80, $0x38;
	[tilespmem:$0x1C380] =	vst v63  }
0x18f: {  	s5 =	sor.u32 $0x580, s1;
	s3 =	spop (v2sf)  }
0x190: {  	[tilespmem:s5], [sflag:s0] =	stream.linear.gather [spmem:s3], $0x80, $0x38;
	[tilespmem:$0x1C380] =	vst v63  }
0x191: {  	s4 =	sadd.s32 $0x80, s3;
	s5 =	sor.u32 $0x980, s1  }
0x192: {  	[tilespmem:s5], [sflag:s0] =	stream.linear.gather [spmem:s4], $0x80, $0x38;
	[tilespmem:$0x1C380] =	vst v63  }
0x193: {  	s4 =	sadd.s32 $0x100, s3;
	s5 =	sor.u32 $0xD80, s1  }
0x194: {  	[tilespmem:s5], [sflag:s0] =	stream.linear.gather [spmem:s4], $0x80, $0x38;
	[tilespmem:$0x1C380] =	vst v63  }
0x195: {  	s4 =	sadd.s32 $0x180, s3;
	s5 =	sadd.s32 $0x1180, s1  }
0x196: {  	[tilespmem:s5], [sflag:s0] =	stream.linear.gather [spmem:s4], $0x80, $0x38;
	[tilespmem:$0x1C380] =	vst v63  }
0x197: {  	s4 =	sadd.s32 $0x200, s3;
	s5 =	sadd.s32 $0x1580, s1  }
0x198: {  	[tilespmem:s5], [sflag:s0] =	stream.linear.gather [spmem:s4], $0x80, $0x38;
	[tilespmem:$0x1C380] =	vst v63  }
0x199: {  	s4 =	sadd.s32 $0x280, s3;
	s5 =	sadd.s32 $0x1980, s1  }
0x19a: {  	[tilespmem:s5], [sflag:s0] =	stream.linear.gather [spmem:s4], $0x80, $0x38;
	[tilespmem:$0x1C380] =	vst v63  }
0x19b: {  	s4 =	sadd.s32 $0x300, s3;
	s5 =	sadd.s32 $0x1D80, s1  }
0x19c: {  	[tilespmem:s5], [sflag:s0] =	stream.linear.gather [spmem:s4], $0x80, $0x38;
	[tilespmem:$0x1C380] =	vst v63  }
0x19d: {  	s4 =	sadd.s32 $0x380, s3;
	s5 =	sadd.s32 $0x2180, s1  }
0x19e: {  	[tilespmem:s5], [sflag:s0] =	stream.linear.gather [spmem:s4], $0x80, $0x38;
	[tilespmem:$0x1C380] =	vst v63  }
0x19f: {  	s4 =	sadd.s32 $0x400, s3;
	s5 =	sadd.s32 $0x2580, s1  }
0x1a0: {  	[tilespmem:s5], [sflag:s0] =	stream.linear.gather [spmem:s4], $0x80, $0x38;
	[tilespmem:$0x1C380] =	vst v63  }
0x1a1: {  	s4 =	sadd.s32 $0x480, s3;
	s5 =	sadd.s32 $0x2980, s1  }
0x1a2: {  	[tilespmem:s5], [sflag:s0] =	stream.linear.gather [spmem:s4], $0x80, $0x38;
	[tilespmem:$0x1C380] =	vst v63  }
0x1a3: {  	s4 =	sadd.s32 $0x500, s3;
	s5 =	sadd.s32 $0x2D80, s1  }
0x1a4: {  	[tilespmem:s5], [sflag:s0] =	stream.linear.gather [spmem:s4], $0x80, $0x38;
	[tilespmem:$0x1C380] =	vst v63  }
0x1a5: {  	s4 =	sadd.s32 $0x580, s3;
	s5 =	sadd.s32 $0x3180, s1  }
0x1a6: {  	[tilespmem:s5], [sflag:s0] =	stream.linear.gather [spmem:s4], $0x80, $0x38;
	[tilespmem:$0x1C380] =	vst v63  }
0x1a7: {  	s4 =	sadd.s32 $0x600, s3;
	s5 =	sadd.s32 $0x3580, s1  }
0x1a8: {  	[tilespmem:s5], [sflag:s0] =	stream.linear.gather [spmem:s4], $0x80, $0x38;
	[tilespmem:$0x1C380] =	vst v63  }
0x1a9: {  	s4 =	sadd.s32 $0x680, s3;
	s5 =	sadd.s32 $0x3980, s1  }
0x1aa: {  	[tilespmem:s5], [sflag:s0] =	stream.linear.gather [spmem:s4], $0x80, $0x38;
	[tilespmem:$0x1C380] =	vst v63  }
0x1ab: {  	s4 =	sadd.s32 $0x700, s3;
	s5 =	sadd.s32 $0x3D80, s1  }
0x1ac: {  	[tilespmem:s5], [sflag:s0] =	stream.linear.gather [spmem:s4], $0x80, $0x38;
	[tilespmem:$0x1C380] =	vst v63  }
0x1ad: {  	s4 =	sadd.s32 $0x780, s3;
	s5 =	sadd.s32 $0x4180, s1  }
0x1ae: {  	[tilespmem:s5], [sflag:s0] =	stream.linear.gather [spmem:s4], $0x80, $0x38;
	[tilespmem:$0x1C380] =	vst v63  }
0x1af: {  	s4 =	sadd.s32 $0x800, s3;
	s5 =	sadd.s32 $0x4580, s1  }
0x1b0: {  	[tilespmem:s5], [sflag:s0] =	stream.linear.gather [spmem:s4], $0x80, $0x38;
	[tilespmem:$0x1C380] =	vst v63  }
0x1b1: {  	s4 =	sadd.s32 $0x880, s3;
	s5 =	sadd.s32 $0x4980, s1  }
0x1b2: {  	[tilespmem:s5], [sflag:s0] =	stream.linear.gather [spmem:s4], $0x80, $0x38;
	[tilespmem:$0x1C380] =	vst v63  }
0x1b3: {  	s4 =	sadd.s32 $0x900, s3;
	s5 =	sadd.s32 $0x4D80, s1  }
0x1b4: {  	[tilespmem:s5], [sflag:s0] =	stream.linear.gather [spmem:s4], $0x80, $0x38;
	[tilespmem:$0x1C380] =	vst v63  }
0x1b5: {  	s4 =	sadd.s32 $0x980, s3;
	s5 =	sadd.s32 $0x5180, s1  }
0x1b6: {  	[tilespmem:s5], [sflag:s0] =	stream.linear.gather [spmem:s4], $0x80, $0x38;
	[tilespmem:$0x1C380] =	vst v63  }
0x1b7: {  	s4 =	sadd.s32 $0xA00, s3;
	s5 =	sadd.s32 $0x5580, s1  }
0x1b8: {  	(v2sf) =	vpush v4, $0x5;
	[tilespmem:s5], [sflag:s0] =	stream.linear.gather [spmem:s4], $0x80, $0x38;
	[tilespmem:$0x1C380] =	vst v63  }
0x1b9: {  	s4 =	sadd.s32 $0xA80, s3;
	s5 =	sadd.s32 $0x5980, s1  }
0x1ba: {  	[tilespmem:s5], [sflag:s0] =	stream.linear.gather [spmem:s4], $0x80, $0x38;
	[tilespmem:$0x1C380] =	vst v63  }
0x1bb: {  	s4 =	sadd.s32 $0xB00, s3;
	s5 =	sadd.s32 $0x5D80, s1  }
0x1bc: {  	[tilespmem:s5], [sflag:s0] =	stream.linear.gather [spmem:s4], $0x80, $0x38;
	[tilespmem:$0x1C380] =	vst v63  }
0x1bd: {  	s4 =	sadd.s32 $0xB80, s3;
	s5 =	sadd.s32 $0x6180, s1  }
0x1be: {  	[tilespmem:s5], [sflag:s0] =	stream.linear.gather [spmem:s4], $0x80, $0x38;
	[tilespmem:$0x1C380] =	vst v63  }
0x1bf: {  	s4 =	sadd.s32 $0xC00, s3;
	s5 =	sadd.s32 $0x6580, s1  }
0x1c0: {  	[tilespmem:s5], [sflag:s0] =	stream.linear.gather [spmem:s4], $0x80, $0x38;
	[tilespmem:$0x1C380] =	vst v63  }
0x1c1: {  	s4 =	sadd.s32 $0xC80, s3;
	s5 =	sadd.s32 $0x6980, s1  }
0x1c2: {  	[tilespmem:s5], [sflag:s0] =	stream.linear.gather [spmem:s4], $0x80, $0x38;
	[tilespmem:$0x1C380] =	vst v63  }
0x1c3: {  	s4 =	sadd.s32 $0xD00, s3;
	s5 =	sadd.s32 $0x6D80, s1  }
0x1c4: {  	[tilespmem:s5], [sflag:s0] =	stream.linear.gather [spmem:s4], $0x80, $0x38;
	[tilespmem:$0x1C380] =	vst v63  }
0x1c5: {  	s3 =	sadd.s32 $0xD80, s3;
	s5 =	sadd.s32 $0x7180, s1  }
0x1c6: {  	[tilespmem:s5], [sflag:s0] =	stream.linear.gather [spmem:s3], $0x80, $0x38;
	[tilespmem:$0x1C380] =	vst v63  }
0x1c7: {  	s5 =	sor.u32 $0x600, s1;
	s3 =	spop (v2sf)  }
0x1c8: {  	[tilespmem:s5], [sflag:s0] =	stream.linear.gather [spmem:s3], $0x80, $0x38;
	[tilespmem:$0x1C380] =	vst v63  }
0x1c9: {  	s4 =	sadd.s32 $0x80, s3;
	s5 =	sor.u32 $0xA00, s1  }
0x1ca: {  	[tilespmem:s5], [sflag:s0] =	stream.linear.gather [spmem:s4], $0x80, $0x38;
	[tilespmem:$0x1C380] =	vst v63  }
0x1cb: {  	s4 =	sadd.s32 $0x100, s3;
	s5 =	sor.u32 $0xE00, s1  }
0x1cc: {  	[tilespmem:s5], [sflag:s0] =	stream.linear.gather [spmem:s4], $0x80, $0x38;
	[tilespmem:$0x1C380] =	vst v63  }
0x1cd: {  	s4 =	sadd.s32 $0x180, s3;
	s5 =	sadd.s32 $0x1200, s1  }
0x1ce: {  	[tilespmem:s5], [sflag:s0] =	stream.linear.gather [spmem:s4], $0x80, $0x38;
	[tilespmem:$0x1C380] =	vst v63  }
0x1cf: {  	s4 =	sadd.s32 $0x200, s3;
	s5 =	sadd.s32 $0x1600, s1  }
0x1d0: {  	[tilespmem:s5], [sflag:s0] =	stream.linear.gather [spmem:s4], $0x80, $0x38;
	[tilespmem:$0x1C380] =	vst v63  }
0x1d1: {  	s4 =	sadd.s32 $0x280, s3;
	s5 =	sadd.s32 $0x1A00, s1  }
0x1d2: {  	[tilespmem:s5], [sflag:s0] =	stream.linear.gather [spmem:s4], $0x80, $0x38;
	[tilespmem:$0x1C380] =	vst v63  }
0x1d3: {  	s4 =	sadd.s32 $0x300, s3;
	s5 =	sadd.s32 $0x1E00, s1  }
0x1d4: {  	[tilespmem:s5], [sflag:s0] =	stream.linear.gather [spmem:s4], $0x80, $0x38;
	[tilespmem:$0x1C380] =	vst v63  }
0x1d5: {  	s4 =	sadd.s32 $0x380, s3;
	s5 =	sadd.s32 $0x2200, s1  }
0x1d6: {  	[tilespmem:s5], [sflag:s0] =	stream.linear.gather [spmem:s4], $0x80, $0x38;
	[tilespmem:$0x1C380] =	vst v63  }
0x1d7: {  	s4 =	sadd.s32 $0x400, s3;
	s5 =	sadd.s32 $0x2600, s1  }
0x1d8: {  	[tilespmem:s5], [sflag:s0] =	stream.linear.gather [spmem:s4], $0x80, $0x38;
	[tilespmem:$0x1C380] =	vst v63  }
0x1d9: {  	s4 =	sadd.s32 $0x480, s3;
	s5 =	sadd.s32 $0x2A00, s1  }
0x1da: {  	[tilespmem:s5], [sflag:s0] =	stream.linear.gather [spmem:s4], $0x80, $0x38;
	[tilespmem:$0x1C380] =	vst v63  }
0x1db: {  	s4 =	sadd.s32 $0x500, s3;
	s5 =	sadd.s32 $0x2E00, s1  }
0x1dc: {  	[tilespmem:s5], [sflag:s0] =	stream.linear.gather [spmem:s4], $0x80, $0x38;
	[tilespmem:$0x1C380] =	vst v63  }
0x1dd: {  	s4 =	sadd.s32 $0x580, s3;
	s5 =	sadd.s32 $0x3200, s1  }
0x1de: {  	[tilespmem:s5], [sflag:s0] =	stream.linear.gather [spmem:s4], $0x80, $0x38;
	[tilespmem:$0x1C380] =	vst v63  }
0x1df: {  	s4 =	sadd.s32 $0x600, s3;
	s5 =	sadd.s32 $0x3600, s1  }
0x1e0: {  	[tilespmem:s5], [sflag:s0] =	stream.linear.gather [spmem:s4], $0x80, $0x38;
	[tilespmem:$0x1C380] =	vst v63  }
0x1e1: {  	s4 =	sadd.s32 $0x680, s3;
	s5 =	sadd.s32 $0x3A00, s1  }
0x1e2: {  	[tilespmem:s5], [sflag:s0] =	stream.linear.gather [spmem:s4], $0x80, $0x38;
	[tilespmem:$0x1C380] =	vst v63  }
0x1e3: {  	s4 =	sadd.s32 $0x700, s3;
	s5 =	sadd.s32 $0x3E00, s1  }
0x1e4: {  	[tilespmem:s5], [sflag:s0] =	stream.linear.gather [spmem:s4], $0x80, $0x38;
	[tilespmem:$0x1C380] =	vst v63  }
0x1e5: {  	s4 =	sadd.s32 $0x780, s3;
	s5 =	sadd.s32 $0x4200, s1  }
0x1e6: {  	[tilespmem:s5], [sflag:s0] =	stream.linear.gather [spmem:s4], $0x80, $0x38;
	[tilespmem:$0x1C380] =	vst v63  }
0x1e7: {  	s4 =	sadd.s32 $0x800, s3;
	s5 =	sadd.s32 $0x4600, s1  }
0x1e8: {  	[tilespmem:s5], [sflag:s0] =	stream.linear.gather [spmem:s4], $0x80, $0x38;
	[tilespmem:$0x1C380] =	vst v63  }
0x1e9: {  	s4 =	sadd.s32 $0x880, s3;
	s5 =	sadd.s32 $0x4A00, s1  }
0x1ea: {  	[tilespmem:s5], [sflag:s0] =	stream.linear.gather [spmem:s4], $0x80, $0x38;
	[tilespmem:$0x1C380] =	vst v63  }
0x1eb: {  	s4 =	sadd.s32 $0x900, s3;
	s5 =	sadd.s32 $0x4E00, s1  }
0x1ec: {  	[tilespmem:s5], [sflag:s0] =	stream.linear.gather [spmem:s4], $0x80, $0x38;
	[tilespmem:$0x1C380] =	vst v63  }
0x1ed: {  	s4 =	sadd.s32 $0x980, s3;
	s5 =	sadd.s32 $0x5200, s1  }
0x1ee: {  	[tilespmem:s5], [sflag:s0] =	stream.linear.gather [spmem:s4], $0x80, $0x38;
	[tilespmem:$0x1C380] =	vst v63  }
0x1ef: {  	s4 =	sadd.s32 $0xA00, s3;
	s5 =	sadd.s32 $0x5600, s1  }
0x1f0: {  	(v2sf) =	vpush v4, $0x6;
	[tilespmem:s5], [sflag:s0] =	stream.linear.gather [spmem:s4], $0x80, $0x38;
	[tilespmem:$0x1C380] =	vst v63  }
0x1f1: {  	s4 =	sadd.s32 $0xA80, s3;
	s5 =	sadd.s32 $0x5A00, s1  }
0x1f2: {  	[tilespmem:s5], [sflag:s0] =	stream.linear.gather [spmem:s4], $0x80, $0x38;
	[tilespmem:$0x1C380] =	vst v63  }
0x1f3: {  	s4 =	sadd.s32 $0xB00, s3;
	s5 =	sadd.s32 $0x5E00, s1  }
0x1f4: {  	[tilespmem:s5], [sflag:s0] =	stream.linear.gather [spmem:s4], $0x80, $0x38;
	[tilespmem:$0x1C380] =	vst v63  }
0x1f5: {  	s4 =	sadd.s32 $0xB80, s3;
	s5 =	sadd.s32 $0x6200, s1  }
0x1f6: {  	[tilespmem:s5], [sflag:s0] =	stream.linear.gather [spmem:s4], $0x80, $0x38;
	[tilespmem:$0x1C380] =	vst v63  }
0x1f7: {  	s4 =	sadd.s32 $0xC00, s3;
	s5 =	sadd.s32 $0x6600, s1  }
0x1f8: {  	[tilespmem:s5], [sflag:s0] =	stream.linear.gather [spmem:s4], $0x80, $0x38;
	[tilespmem:$0x1C380] =	vst v63  }
0x1f9: {  	s4 =	sadd.s32 $0xC80, s3;
	s5 =	sadd.s32 $0x6A00, s1  }
0x1fa: {  	[tilespmem:s5], [sflag:s0] =	stream.linear.gather [spmem:s4], $0x80, $0x38;
	[tilespmem:$0x1C380] =	vst v63  }
0x1fb: {  	s4 =	sadd.s32 $0xD00, s3;
	s5 =	sadd.s32 $0x6E00, s1  }
0x1fc: {  	[tilespmem:s5], [sflag:s0] =	stream.linear.gather [spmem:s4], $0x80, $0x38;
	[tilespmem:$0x1C380] =	vst v63  }
0x1fd: {  	s3 =	sadd.s32 $0xD80, s3;
	s5 =	sadd.s32 $0x7200, s1  }
0x1fe: {  	[tilespmem:s5], [sflag:s0] =	stream.linear.gather [spmem:s3], $0x80, $0x38;
	[tilespmem:$0x1C380] =	vst v63  }
0x1ff: {  	s5 =	sor.u32 $0x680, s1;
	s3 =	spop (v2sf)  }
0x200: {  	[tilespmem:s5], [sflag:s0] =	stream.linear.gather [spmem:s3], $0x80, $0x38;
	[tilespmem:$0x1C380] =	vst v63  }
0x201: {  	s4 =	sadd.s32 $0x80, s3;
	s5 =	sor.u32 $0xA80, s1  }
0x202: {  	[tilespmem:s5], [sflag:s0] =	stream.linear.gather [spmem:s4], $0x80, $0x38;
	[tilespmem:$0x1C380] =	vst v63  }
0x203: {  	s4 =	sadd.s32 $0x100, s3;
	s5 =	sor.u32 $0xE80, s1  }
0x204: {  	[tilespmem:s5], [sflag:s0] =	stream.linear.gather [spmem:s4], $0x80, $0x38;
	[tilespmem:$0x1C380] =	vst v63  }
0x205: {  	s4 =	sadd.s32 $0x180, s3;
	s5 =	sadd.s32 $0x1280, s1  }
0x206: {  	[tilespmem:s5], [sflag:s0] =	stream.linear.gather [spmem:s4], $0x80, $0x38;
	[tilespmem:$0x1C380] =	vst v63  }
0x207: {  	s4 =	sadd.s32 $0x200, s3;
	s5 =	sadd.s32 $0x1680, s1  }
0x208: {  	[tilespmem:s5], [sflag:s0] =	stream.linear.gather [spmem:s4], $0x80, $0x38;
	[tilespmem:$0x1C380] =	vst v63  }
0x209: {  	s4 =	sadd.s32 $0x280, s3;
	s5 =	sadd.s32 $0x1A80, s1  }
0x20a: {  	[tilespmem:s5], [sflag:s0] =	stream.linear.gather [spmem:s4], $0x80, $0x38;
	[tilespmem:$0x1C380] =	vst v63  }
0x20b: {  	s4 =	sadd.s32 $0x300, s3;
	s5 =	sadd.s32 $0x1E80, s1  }
0x20c: {  	[tilespmem:s5], [sflag:s0] =	stream.linear.gather [spmem:s4], $0x80, $0x38;
	[tilespmem:$0x1C380] =	vst v63  }
0x20d: {  	s4 =	sadd.s32 $0x380, s3;
	s5 =	sadd.s32 $0x2280, s1  }
0x20e: {  	[tilespmem:s5], [sflag:s0] =	stream.linear.gather [spmem:s4], $0x80, $0x38;
	[tilespmem:$0x1C380] =	vst v63  }
0x20f: {  	s4 =	sadd.s32 $0x400, s3;
	s5 =	sadd.s32 $0x2680, s1  }
0x210: {  	[tilespmem:s5], [sflag:s0] =	stream.linear.gather [spmem:s4], $0x80, $0x38;
	[tilespmem:$0x1C380] =	vst v63  }
0x211: {  	s4 =	sadd.s32 $0x480, s3;
	s5 =	sadd.s32 $0x2A80, s1  }
0x212: {  	[tilespmem:s5], [sflag:s0] =	stream.linear.gather [spmem:s4], $0x80, $0x38;
	[tilespmem:$0x1C380] =	vst v63  }
0x213: {  	s4 =	sadd.s32 $0x500, s3;
	s5 =	sadd.s32 $0x2E80, s1  }
0x214: {  	[tilespmem:s5], [sflag:s0] =	stream.linear.gather [spmem:s4], $0x80, $0x38;
	[tilespmem:$0x1C380] =	vst v63  }
0x215: {  	s4 =	sadd.s32 $0x580, s3;
	s5 =	sadd.s32 $0x3280, s1  }
0x216: {  	[tilespmem:s5], [sflag:s0] =	stream.linear.gather [spmem:s4], $0x80, $0x38;
	[tilespmem:$0x1C380] =	vst v63  }
0x217: {  	s4 =	sadd.s32 $0x600, s3;
	s5 =	sadd.s32 $0x3680, s1  }
0x218: {  	[tilespmem:s5], [sflag:s0] =	stream.linear.gather [spmem:s4], $0x80, $0x38;
	[tilespmem:$0x1C380] =	vst v63  }
0x219: {  	s4 =	sadd.s32 $0x680, s3;
	s5 =	sadd.s32 $0x3A80, s1  }
0x21a: {  	[tilespmem:s5], [sflag:s0] =	stream.linear.gather [spmem:s4], $0x80, $0x38;
	[tilespmem:$0x1C380] =	vst v63  }
0x21b: {  	s4 =	sadd.s32 $0x700, s3;
	s5 =	sadd.s32 $0x3E80, s1  }
0x21c: {  	[tilespmem:s5], [sflag:s0] =	stream.linear.gather [spmem:s4], $0x80, $0x38;
	[tilespmem:$0x1C380] =	vst v63  }
0x21d: {  	s4 =	sadd.s32 $0x780, s3;
	s5 =	sadd.s32 $0x4280, s1  }
0x21e: {  	[tilespmem:s5], [sflag:s0] =	stream.linear.gather [spmem:s4], $0x80, $0x38;
	[tilespmem:$0x1C380] =	vst v63  }
0x21f: {  	s4 =	sadd.s32 $0x800, s3;
	s5 =	sadd.s32 $0x4680, s1  }
0x220: {  	[tilespmem:s5], [sflag:s0] =	stream.linear.gather [spmem:s4], $0x80, $0x38;
	[tilespmem:$0x1C380] =	vst v63  }
0x221: {  	s4 =	sadd.s32 $0x880, s3;
	s5 =	sadd.s32 $0x4A80, s1  }
0x222: {  	[tilespmem:s5], [sflag:s0] =	stream.linear.gather [spmem:s4], $0x80, $0x38;
	[tilespmem:$0x1C380] =	vst v63  }
0x223: {  	s4 =	sadd.s32 $0x900, s3;
	s5 =	sadd.s32 $0x4E80, s1  }
0x224: {  	[tilespmem:s5], [sflag:s0] =	stream.linear.gather [spmem:s4], $0x80, $0x38;
	[tilespmem:$0x1C380] =	vst v63  }
0x225: {  	s4 =	sadd.s32 $0x980, s3;
	s5 =	sadd.s32 $0x5280, s1  }
0x226: {  	[tilespmem:s5], [sflag:s0] =	stream.linear.gather [spmem:s4], $0x80, $0x38;
	[tilespmem:$0x1C380] =	vst v63  }
0x227: {  	s4 =	sadd.s32 $0xA00, s3;
	s5 =	sadd.s32 $0x5680, s1  }
0x228: {  	(v2sf) =	vpush v4, $0x7;
	[tilespmem:s5], [sflag:s0] =	stream.linear.gather [spmem:s4], $0x80, $0x38;
	[tilespmem:$0x1C380] =	vst v63  }
0x229: {  	s4 =	sadd.s32 $0xA80, s3;
	s5 =	sadd.s32 $0x5A80, s1  }
0x22a: {  	[tilespmem:s5], [sflag:s0] =	stream.linear.gather [spmem:s4], $0x80, $0x38;
	[tilespmem:$0x1C380] =	vst v63  }
0x22b: {  	s4 =	sadd.s32 $0xB00, s3;
	s5 =	sadd.s32 $0x5E80, s1  }
0x22c: {  	[tilespmem:s5], [sflag:s0] =	stream.linear.gather [spmem:s4], $0x80, $0x38;
	[tilespmem:$0x1C380] =	vst v63  }
0x22d: {  	s4 =	sadd.s32 $0xB80, s3;
	s5 =	sadd.s32 $0x6280, s1  }
0x22e: {  	[tilespmem:s5], [sflag:s0] =	stream.linear.gather [spmem:s4], $0x80, $0x38;
	[tilespmem:$0x1C380] =	vst v63  }
0x22f: {  	s4 =	sadd.s32 $0xC00, s3;
	s5 =	sadd.s32 $0x6680, s1  }
0x230: {  	[tilespmem:s5], [sflag:s0] =	stream.linear.gather [spmem:s4], $0x80, $0x38;
	[tilespmem:$0x1C380] =	vst v63  }
0x231: {  	s4 =	sadd.s32 $0xC80, s3;
	s5 =	sadd.s32 $0x6A80, s1  }
0x232: {  	[tilespmem:s5], [sflag:s0] =	stream.linear.gather [spmem:s4], $0x80, $0x38;
	[tilespmem:$0x1C380] =	vst v63  }
0x233: {  	s4 =	sadd.s32 $0xD00, s3;
	s5 =	sadd.s32 $0x6E80, s1  }
0x234: {  	[tilespmem:s5], [sflag:s0] =	stream.linear.gather [spmem:s4], $0x80, $0x38;
	[tilespmem:$0x1C380] =	vst v63  }
0x235: {  	s3 =	sadd.s32 $0xD80, s3;
	s5 =	sadd.s32 $0x7280, s1  }
0x236: {  	[tilespmem:s5], [sflag:s0] =	stream.linear.gather [spmem:s3], $0x80, $0x38;
	[tilespmem:$0x1C380] =	vst v63  }
0x237: {  	s5 =	sor.u32 $0x700, s1;
	s3 =	spop (v2sf)  }
0x238: {  	[tilespmem:s5], [sflag:s0] =	stream.linear.gather [spmem:s3], $0x80, $0x38;
	[tilespmem:$0x1C380] =	vst v63  }
0x239: {  	s4 =	sadd.s32 $0x80, s3;
	s5 =	sor.u32 $0xB00, s1  }
0x23a: {  	[tilespmem:s5], [sflag:s0] =	stream.linear.gather [spmem:s4], $0x80, $0x38;
	[tilespmem:$0x1C380] =	vst v63  }
0x23b: {  	s4 =	sadd.s32 $0x100, s3;
	s5 =	sor.u32 $0xF00, s1  }
0x23c: {  	[tilespmem:s5], [sflag:s0] =	stream.linear.gather [spmem:s4], $0x80, $0x38;
	[tilespmem:$0x1C380] =	vst v63  }
0x23d: {  	s4 =	sadd.s32 $0x180, s3;
	s5 =	sadd.s32 $0x1300, s1  }
0x23e: {  	[tilespmem:s5], [sflag:s0] =	stream.linear.gather [spmem:s4], $0x80, $0x38;
	[tilespmem:$0x1C380] =	vst v63  }
0x23f: {  	s4 =	sadd.s32 $0x200, s3;
	s5 =	sadd.s32 $0x1700, s1  }
0x240: {  	[tilespmem:s5], [sflag:s0] =	stream.linear.gather [spmem:s4], $0x80, $0x38;
	[tilespmem:$0x1C380] =	vst v63  }
0x241: {  	s4 =	sadd.s32 $0x280, s3;
	s5 =	sadd.s32 $0x1B00, s1  }
0x242: {  	[tilespmem:s5], [sflag:s0] =	stream.linear.gather [spmem:s4], $0x80, $0x38;
	[tilespmem:$0x1C380] =	vst v63  }
0x243: {  	s4 =	sadd.s32 $0x300, s3;
	s5 =	sadd.s32 $0x1F00, s1  }
0x244: {  	[tilespmem:s5], [sflag:s0] =	stream.linear.gather [spmem:s4], $0x80, $0x38;
	[tilespmem:$0x1C380] =	vst v63  }
0x245: {  	s4 =	sadd.s32 $0x380, s3;
	s5 =	sadd.s32 $0x2300, s1  }
0x246: {  	[tilespmem:s5], [sflag:s0] =	stream.linear.gather [spmem:s4], $0x80, $0x38;
	[tilespmem:$0x1C380] =	vst v63  }
0x247: {  	s4 =	sadd.s32 $0x400, s3;
	s5 =	sadd.s32 $0x2700, s1  }
0x248: {  	[tilespmem:s5], [sflag:s0] =	stream.linear.gather [spmem:s4], $0x80, $0x38;
	[tilespmem:$0x1C380] =	vst v63  }
0x249: {  	s4 =	sadd.s32 $0x480, s3;
	s5 =	sadd.s32 $0x2B00, s1  }
0x24a: {  	[tilespmem:s5], [sflag:s0] =	stream.linear.gather [spmem:s4], $0x80, $0x38;
	[tilespmem:$0x1C380] =	vst v63  }
0x24b: {  	s4 =	sadd.s32 $0x500, s3;
	s5 =	sadd.s32 $0x2F00, s1  }
0x24c: {  	[tilespmem:s5], [sflag:s0] =	stream.linear.gather [spmem:s4], $0x80, $0x38;
	[tilespmem:$0x1C380] =	vst v63  }
0x24d: {  	s4 =	sadd.s32 $0x580, s3;
	s5 =	sadd.s32 $0x3300, s1  }
0x24e: {  	[tilespmem:s5], [sflag:s0] =	stream.linear.gather [spmem:s4], $0x80, $0x38;
	[tilespmem:$0x1C380] =	vst v63  }
0x24f: {  	s4 =	sadd.s32 $0x600, s3;
	s5 =	sadd.s32 $0x3700, s1  }
0x250: {  	[tilespmem:s5], [sflag:s0] =	stream.linear.gather [spmem:s4], $0x80, $0x38;
	[tilespmem:$0x1C380] =	vst v63  }
0x251: {  	s4 =	sadd.s32 $0x680, s3;
	s5 =	sadd.s32 $0x3B00, s1  }
0x252: {  	[tilespmem:s5], [sflag:s0] =	stream.linear.gather [spmem:s4], $0x80, $0x38;
	[tilespmem:$0x1C380] =	vst v63  }
0x253: {  	s4 =	sadd.s32 $0x700, s3;
	s5 =	sadd.s32 $0x3F00, s1  }
0x254: {  	[tilespmem:s5], [sflag:s0] =	stream.linear.gather [spmem:s4], $0x80, $0x38;
	[tilespmem:$0x1C380] =	vst v63  }
0x255: {  	s4 =	sadd.s32 $0x780, s3;
	s5 =	sadd.s32 $0x4300, s1  }
0x256: {  	[tilespmem:s5], [sflag:s0] =	stream.linear.gather [spmem:s4], $0x80, $0x38;
	[tilespmem:$0x1C380] =	vst v63  }
0x257: {  	s4 =	sadd.s32 $0x800, s3;
	s5 =	sadd.s32 $0x4700, s1  }
0x258: {  	[tilespmem:s5], [sflag:s0] =	stream.linear.gather [spmem:s4], $0x80, $0x38;
	[tilespmem:$0x1C380] =	vst v63  }
0x259: {  	s4 =	sadd.s32 $0x880, s3;
	s5 =	sadd.s32 $0x4B00, s1  }
0x25a: {  	[tilespmem:s5], [sflag:s0] =	stream.linear.gather [spmem:s4], $0x80, $0x38;
	[tilespmem:$0x1C380] =	vst v63  }
0x25b: {  	s4 =	sadd.s32 $0x900, s3;
	s5 =	sadd.s32 $0x4F00, s1  }
0x25c: {  	[tilespmem:s5], [sflag:s0] =	stream.linear.gather [spmem:s4], $0x80, $0x38;
	[tilespmem:$0x1C380] =	vst v63  }
0x25d: {  	s4 =	sadd.s32 $0x980, s3;
	s5 =	sadd.s32 $0x5300, s1  }
0x25e: {  	[tilespmem:s5], [sflag:s0] =	stream.linear.gather [spmem:s4], $0x80, $0x38;
	[tilespmem:$0x1C380] =	vst v63  }
0x25f: {  	s4 =	sadd.s32 $0xA00, s3;
	s5 =	sadd.s32 $0x5700, s1  }
0x260: {  	[tilespmem:s5], [sflag:s0] =	stream.linear.gather [spmem:s4], $0x80, $0x38;
	[tilespmem:$0x1C380] =	vst v63  }
0x261: {  	s4 =	sadd.s32 $0xA80, s3;
	s5 =	sadd.s32 $0x5B00, s1  }
0x262: {  	[tilespmem:s5], [sflag:s0] =	stream.linear.gather [spmem:s4], $0x80, $0x38;
	[tilespmem:$0x1C380] =	vst v63  }
0x263: {  	s4 =	sadd.s32 $0xB00, s3;
	s5 =	sadd.s32 $0x5F00, s1  }
0x264: {  	[tilespmem:s5], [sflag:s0] =	stream.linear.gather [spmem:s4], $0x80, $0x38;
	[tilespmem:$0x1C380] =	vst v63  }
0x265: {  	s4 =	sadd.s32 $0xB80, s3;
	s5 =	sadd.s32 $0x6300, s1  }
0x266: {  	[tilespmem:s5], [sflag:s0] =	stream.linear.gather [spmem:s4], $0x80, $0x38;
	[tilespmem:$0x1C380] =	vst v63  }
0x267: {  	s4 =	sadd.s32 $0xC00, s3;
	s5 =	sadd.s32 $0x6700, s1  }
0x268: {  	[tilespmem:s5], [sflag:s0] =	stream.linear.gather [spmem:s4], $0x80, $0x38;
	[tilespmem:$0x1C380] =	vst v63  }
0x269: {  	s4 =	sadd.s32 $0xC80, s3;
	s5 =	sadd.s32 $0x6B00, s1  }
0x26a: {  	[tilespmem:s5], [sflag:s0] =	stream.linear.gather [spmem:s4], $0x80, $0x38;
	[tilespmem:$0x1C380] =	vst v63  }
0x26b: {  	s4 =	sadd.s32 $0xD00, s3;
	s5 =	sadd.s32 $0x6F00, s1  }
0x26c: {  	[tilespmem:s5], [sflag:s0] =	stream.linear.gather [spmem:s4], $0x80, $0x38;
	[tilespmem:$0x1C380] =	vst v63  }
0x26d: {  	s3 =	sadd.s32 $0xD80, s3;
	s1 =	sadd.s32 $0x7300, s1  }
0x26e: {  	[tilespmem:s1], [sflag:s0] =	stream.linear.gather [spmem:s3], $0x80, $0x38;
	[tilespmem:$0x1C380] =	vst v63  }
.LBB2_8:
0x26f: {  	p0 =	seq.s32 s31, $0x0  }
.Ltmp8:
0x270: {  	_ = 	snop;
	(pc) =	sbr.rel @!p0 .LBB2_9-.Ltmp8, $4  }
.Ltmp9:
0x271: {  	_ = 	snop;
	(pc) =	sbr.rel @p0 .LBB2_10-.Ltmp9, $4  }
0x272: {  	_ = 	snop  }
0x273: {  	_ = 	snop  }
0x274: {  	_ = 	snop  }
0x275: {  	_ = 	snop  }
.LBB2_12:
0x276: {  	_ =	sfence.sel $0x180000  }
0x277: {  	[bflag:$0x0] =	sbarrier.arrive $0xFFFF  }
0x278: {  	_ =	strace $0x90000047  }
0x279: {  	s0 =	stileid.u32;
	[bflag:$0x2] =	sbarrier.arrive $0xFFFF  }
0x27a: {  	p0 =	sne.s32 s0, $0x0;
	s0 =	rddreg [dreg:$0x4]  }
0x27b: {  	s0 =	sadd.s32 @!p0 $0x100000, s0  }
0x27c: {  	[sflag:s0] =	ssyncadd.tile.s32 @!p0 $0x1;
	_ =	shalt  }
.Lfunc_end2:
_tile_overlayer_lowered:
.L_overlay_start_2:
0x27d: {  	(tag) =	ssettag $0x2  }
0x27e: {  	s0 =	rddreg [dreg:$0x0];
	s2 =	stileid.u32  }
0x27f: {  	s1 =	rddreg [dreg:$0x1];
	p0 =	sne.s32 s2, $0x0  }
0x280: {  	s3 =	rddreg [dreg:$0x2];
	[bflag:$0x3] =	sbarrier.arrive $0xFFFF;
	s2 =	simm.s32 @!p0 $0x1C03  }
0x281: {  	[timem:s3], [sflag:s2] =	dma.local @!p0 [hbm:s0], s1  }
0x282: {  	s0 =	simm.s32 @!p0 $0x3  }
0x283: {  	_ =	swait.ge @!p0 [sflag:s0], s1  }
0x284: {  	s1 =	ssub.s32 @!p0 $0x0, s1;
	[sflag:s0] =	ssyncset.done @!p0 $0x0  }
0x285: {  	[sflag:s0] =	ssyncadd.s32 @!p0 s1  }
0x286: {  	[bflag:$0x3] =	sbarrier.arrive $0xFFFF  }
0x287: {  	_ =	shalt  }

</sc_bundles>
